<compile_context>
chip_gen: v7x
topology: tpu7x:2x2x1
jax: 0.10.2.dev20260603
libtpu: 0.0.44.dev20260713+nightly
codegen_flags: <defaults>
</compile_context>

<pallas_src>
import functools

import jax
import jax.numpy as jnp
from jax import lax
from jax.experimental import pallas as pl
from jax.experimental.pallas import tpu as pltpu
from jax.experimental.pallas import tpu_sc as plsc

BATCH = 64
NPTS = 4096
DIM = 256
IMIN = -(2 ** 31)

NWORK = 32
GATHER_ROWS = 192
ROWS_PER_W = 8


def _mono_key(x):
    b = lax.bitcast_convert_type(x, jnp.int32)
    return jnp.where(b >= 0, b, jnp.int32(IMIN) - b)


def _count_lt(keys, mask, v):
    lt = keys < v
    if mask is not None:
        lt = jnp.logical_and(mask, lt)
    return jnp.sum(lt.astype(jnp.int32), axis=1, keepdims=True)


def _search_init(nbits, start):
    v0 = jnp.full((BATCH, 1), start, jnp.int32)
    s0 = jnp.asarray(-(2 ** 31) if nbits == 32 else 1 << (nbits - 1), jnp.int32)
    return v0, s0


def _kth(keys, mask, k, nbits, start):
    def body(_, carry):
        v, step = carry
        cand = v + step
        cnt = _count_lt(keys, mask, cand)
        return jnp.where(cnt <= k, cand, v), lax.shift_right_logical(step, 1)

    v0, s0 = _search_init(nbits, start)
    v, _ = lax.fori_loop(0, nbits, body, (v0, s0))
    return v


def _kth2(keys, maskA, maskB, kA, kB, nbits, start):
    def body(_, carry):
        vA, vB, step = carry
        cA = vA + step
        cB = vB + step
        contrib = (jnp.where(maskA & (keys < cA), 1, 0)
                   + jnp.where(maskB & (keys < cB), 1 << 13, 0))
        s = jnp.sum(contrib, axis=1, keepdims=True)
        cntA = s & ((1 << 13) - 1)
        cntB = lax.shift_right_logical(s, 13)
        return (jnp.where(cntA <= kA, cA, vA),
                jnp.where(cntB <= kB, cB, vB),
                lax.shift_right_logical(step, 1))

    v0, s0 = _search_init(nbits, start)
    vA, vB, _ = lax.fori_loop(0, nbits, body, (v0, v0, s0))
    return vA, vB


def _only_idx(eq, iota):
    return jnp.sum(jnp.where(eq, iota, 0), axis=1, keepdims=True)


def _select_from_cols(c0, c1):
    k0 = _mono_key(c0)
    k1 = _mono_key(c1)
    iota = lax.broadcasted_iota(jnp.int32, (BATCH, NPTS), 1)

    def cnt(mask):
        return jnp.sum(mask.astype(jnp.int32), axis=1, keepdims=True)

    m = jnp.int32(NPTS // 2)
    v0 = _kth(k0, None, m, 32, IMIN)
    eq0 = k0 == v0
    root = lax.cond(
        jnp.all(cnt(eq0) == 1),
        lambda: _only_idx(eq0, iota),
        lambda: _kth(iota, eq0, m - _count_lt(k0, None, v0), 12, 0))

    left = (k0 < v0) | (eq0 & (iota < root))
    right = jnp.logical_not(left) & (iota != root)

    kl = jnp.int32(NPTS // 2 // 2)
    kr = jnp.int32((NPTS - NPTS // 2 - 1) // 2)
    v1, v2 = _kth2(k1, left, right, kl, kr, 32, IMIN)
    eq1 = left & (k1 == v1)
    eq2 = right & (k1 == v2)

    def ties_lr():
        t1 = kl - _count_lt(k1, left, v1)
        t2 = kr - _count_lt(k1, right, v2)
        w1, w2 = _kth2(k0, eq1, eq2, t1, t2, 32, IMIN)
        u1 = t1 - _count_lt(k0, eq1, w1)
        u2 = t2 - _count_lt(k0, eq2, w2)
        return _kth2(iota, eq1 & (k0 == w1), eq2 & (k0 == w2), u1, u2, 12, 0)

    lidx, ridx = lax.cond(
        jnp.all((cnt(eq1) == 1) & (cnt(eq2) == 1)),
        lambda: (_only_idx(eq1, iota), _only_idx(eq2, iota)),
        ties_lr)
    return root, lidx, ridx


def _extract_select_body(f_ref, idx_ref, c0_s, c1_s):
    b = pl.program_id(0)
    ft = jnp.swapaxes(f_ref[0], 0, 1)
    c0_s[pl.ds(b, 1), :] = ft[0:1, :]
    c1_s[pl.ds(b, 1), :] = ft[1:2, :]

    @pl.when(b == BATCH - 1)
    def _select():
        root, lidx, ridx = _select_from_cols(c0_s[...], c1_s[...])
        off = lax.broadcasted_iota(jnp.int32, (1, BATCH), 1) * NPTS
        idx_ref[...] = jnp.concatenate(
            [root.reshape(1, BATCH) + off,
             lidx.reshape(1, BATCH) + off,
             ridx.reshape(1, BATCH) + off], axis=1)


def _flat_indices(features):
    return pl.pallas_call(
        _extract_select_body,
        grid=(BATCH,),
        in_specs=[pl.BlockSpec((1, NPTS, 128), lambda i: (i, 0, 0))],
        out_specs=pl.BlockSpec((1, GATHER_ROWS), lambda i: (0, 0)),
        out_shape=jax.ShapeDtypeStruct((1, GATHER_ROWS), jnp.int32),
        scratch_shapes=[pltpu.VMEM((BATCH, NPTS), jnp.float32),
                        pltpu.VMEM((BATCH, NPTS), jnp.float32)],
    )(features)


def _assemble_body(root_ref, l_ref, r_ref, q_ref, out_ref):
    p_root = root_ref[...]
    p_l = l_ref[...]
    p_r = r_ref[...]
    q = q_ref[...]

    def dist(p):
        d = p - q
        return jnp.sqrt(jnp.sum(d * d, axis=1, keepdims=True))

    d_root, d_l, d_r = dist(p_root), dist(p_l), dist(p_r)
    go_left = q[:, 0:1] < p_root[:, 0:1]

    e0 = jnp.where(go_left, d_l, d_r)
    e1 = d_root
    e2 = jnp.where(go_left, d_r, d_l)
    c0 = jnp.where(go_left, p_l, p_r)
    c2 = jnp.where(go_left, p_r, p_l)

    i32 = lambda b: b.astype(jnp.int32)
    rank0 = i32(e1 < e0) + i32(e2 < e0)
    rank1 = i32(e0 <= e1) + i32(e2 < e1)

    out0 = jnp.where(rank0 == 0, c0, jnp.where(rank1 == 0, p_root, c2))
    out1 = jnp.where(rank0 == 1, c0, jnp.where(rank1 == 1, p_root, c2))
    out_ref[:, 0:1, :] = out0.reshape(BATCH, 1, DIM)
    out_ref[:, 1:2, :] = out1.reshape(BATCH, 1, DIM)


@functools.lru_cache(maxsize=1)
def _make_gather():
    mesh = plsc.VectorSubcoreMesh(core_axis_name="c", subcore_axis_name="s")

    @functools.partial(
        pl.kernel,
        mesh=mesh,
        out_type=(jax.ShapeDtypeStruct((BATCH, DIM), jnp.float32),
                  jax.ShapeDtypeStruct((BATCH, DIM), jnp.float32),
                  jax.ShapeDtypeStruct((BATCH, DIM), jnp.float32)),
        scratch_types=[
            pltpu.VMEM((ROWS_PER_W,), jnp.int32),
            pltpu.VMEM((ROWS_PER_W, DIM), jnp.float32),
            pltpu.SemaphoreType.DMA,
        ],
    )
    def _gather_rows(table_hbm, idx_hbm, o_root, o_l, o_r, idx_v, rows_v, sem):
        wid = lax.axis_index("s") * 2 + lax.axis_index("c")

        @pl.when(wid < GATHER_ROWS // ROWS_PER_W)
        def _():
            pltpu.sync_copy(idx_hbm.at[pl.ds(wid * ROWS_PER_W, ROWS_PER_W)],
                            idx_v)
            pltpu.async_copy(table_hbm.at[idx_v], rows_v, sem).wait()
            for j, o in enumerate((o_root, o_l, o_r)):
                @pl.when(wid // 8 == j)
                def _(o=o, j=j):
                    pltpu.sync_copy(
                        rows_v, o.at[pl.ds((wid - 8 * j) * ROWS_PER_W,
                                           ROWS_PER_W)])

    return _gather_rows


def kernel(features, queries):
    idx_row = _flat_indices(features)
    table = features.reshape(BATCH * NPTS, DIM)
    rows_root, rows_l, rows_r = _make_gather()(table,
                                               idx_row.reshape(GATHER_ROWS))
    return pl.pallas_call(
        _assemble_body,
        out_shape=jax.ShapeDtypeStruct((BATCH, 2, DIM), jnp.float32),
    )(rows_root, rows_l, rows_r, queries)

# --- scband reference (transcript-rebuilt; emitter-appended) ---
"""Pipeline reference for scband-kdtree-37744172597258 (READ-ONLY COPY).

The authoritative reference and input builder live on the scoring server;
editing this copy changes nothing except your own understanding.
"""

import jax, jax.numpy as jnp
import numpy as np

FEATURE_DIM = 256
MAX_DEPTH = 2
K = 2


def setup_inputs(seed: int = 0) -> dict:
    key = jax.random.key(seed)
    k1, k2 = jax.random.split(key)
    features = jax.random.normal(k1, (64, 4096, FEATURE_DIM), dtype=jnp.float32)
    queries = jax.random.normal(k2, (64, FEATURE_DIM), dtype=jnp.float32)
    return {"features": features, "queries": queries}


def _build_candidates(pts):
    # Faithful unrolling of _build with max_depth=2: tree has exactly 3 nodes.
    # depth 0: axis 0, root = median of sort by column 0
    # depth 1: axis 1 % feature_dim, left/right children = medians of sorted halves
    N, d = pts.shape
    order0 = jnp.argsort(pts[:, 0])  # stable, matches python sorted()
    m = N // 2
    root = pts[order0[m]]
    left_pts = pts[order0[:m]]
    right_pts = pts[order0[m + 1:]]
    ax1 = 1 % d
    lorder = jnp.argsort(left_pts[:, ax1])
    L = left_pts[lorder[left_pts.shape[0] // 2]]
    rorder = jnp.argsort(right_pts[:, ax1])
    R = right_pts[rorder[right_pts.shape[0] // 2]]
    return root, L, R


def _query_one(root, L, R, q):
    # Faithful to _search: with depth-2 tree, the recursion always visits
    # next-child, root, opposite-child (len(best)=2 < k=3 so opposite is always
    # searched), builds best in that order, then sorts stably by L2 distance
    # and query() keeps the top self.k = 2 points.
    go_left = q[0] < root[0]
    cand_if_left = jnp.stack([L, root, R])
    cand_if_right = jnp.stack([R, root, L])
    cands = jnp.where(go_left, cand_if_left, cand_if_right)
    dists = jnp.linalg.norm(cands - q[None, :], axis=1)
    order = jnp.argsort(dists)  # stable sort, matches python list.sort
    return cands[order[:K]]


def reference(features, queries):
    roots, Ls, Rs = jax.vmap(_build_candidates)(features)
    return jax.vmap(_query_one)(roots, Ls, Rs, queries)

if __name__ == "__main__":
    import jax
    _d = setup_inputs()
    print(jax.jit(kernel)(*tuple(_d.values())))

</pallas_src>

<mosaic_0001>
#map = affine_map<(d0, d1) -> (0, 0)>
#map1 = affine_map<(d0, d1) -> (0)>
module attributes {stable_mosaic.version = 14 : i64} {
  func.func @_gather_rows(%arg0: i32, %arg1: i32, %arg2: memref<262144x256xf32, #tpu.memory_space<hbm>>, %arg3: memref<192xi32, #tpu.memory_space<hbm>>, %arg4: memref<64x256xf32, #tpu.memory_space<hbm>>, %arg5: memref<64x256xf32, #tpu.memory_space<hbm>>, %arg6: memref<64x256xf32, #tpu.memory_space<hbm>>, %arg7: memref<8xi32, #tpu.memory_space<vmem>>, %arg8: memref<8x256xf32, #tpu.memory_space<vmem>>, %arg9: memref<!tpu.dma_semaphore, #tpu.memory_space<semaphore_mem>>) attributes {dimension_semantics = [#tpu.dimension_semantics<core_parallel>, #tpu.dimension_semantics<subcore_parallel>], iteration_bounds = array<i64: 2, 16>, scalar_prefetch = 0 : i64, scratch_operands = 3 : i64, tpu.core_type = #tpu.core_type<sc_vector_subcore>, window_params = [{transform_indices = #map}, {transform_indices = #map1}, {transform_indices = #map}, {transform_indices = #map}, {transform_indices = #map}]} {
    %mul3A = arith.constant 2 : i32
    %mul3A_0 = arith.muli %arg1, %mul3A : i32
    %add3A = arith.addi %mul3A_0, %arg0 : i32
    %lt3A = arith.constant 24 : i32
    %lt3A_1 = arith.cmpi slt, %add3A, %lt3A : i32
    %convert_element_type3A = arith.extui %lt3A_1 : i1 to i32
    %cond3A = arith.constant 0 : i32
    %cond3A_2 = arith.cmpi ne, %convert_element_type3A, %cond3A : i32
    scf.if %cond3A_2 {
      %mul3A_3 = arith.constant 8 : i32
      %mul3A_4 = arith.muli %add3A, %mul3A_3 : i32
      "tpu.region"() ({
        %run_scoped3A = tpu.sem_alloc : memref<!tpu.dma_semaphore, #tpu.memory_space<semaphore_mem>>
        %dma_start3A_87 = tpu.memref_slice %arg3[%mul3A_4] : memref<192xi32, #tpu.memory_space<hbm>> -> memref<8xi32, #tpu.memory_space<hbm>>
        %dma_start3A_88 = tpu.memref_slice %arg3[%mul3A_4] : memref<192xi32, #tpu.memory_space<hbm>> -> memref<8xi32, #tpu.memory_space<hbm>>
        tpu.enqueue_dma source(%dma_start3A_88 : memref<8xi32, #tpu.memory_space<hbm>>) target(%arg7 : memref<8xi32, #tpu.memory_space<vmem>>) target_semaphore(%run_scoped3A : memref<!tpu.dma_semaphore, #tpu.memory_space<semaphore_mem>>)
        %dma_wait3A_89 = tpu.memref_slice %arg3[%mul3A_4] : memref<192xi32, #tpu.memory_space<hbm>> -> memref<8xi32, #tpu.memory_space<hbm>>
        %dma_wait3A_90 = tpu.memref_slice %arg3[%mul3A_4] : memref<192xi32, #tpu.memory_space<hbm>> -> memref<8xi32, #tpu.memory_space<hbm>>
        tpu.wait_dma2 semaphore(%run_scoped3A : memref<!tpu.dma_semaphore, #tpu.memory_space<semaphore_mem>>) src(%dma_wait3A_90 : memref<8xi32, #tpu.memory_space<hbm>>) dst(%arg7 : memref<8xi32, #tpu.memory_space<vmem>>)
        tpu.yield
      }) : () -> ()
      %dma_start3A = arith.constant 0 : i32
      %dma_start3A_5 = arith.constant 0 : i32
      %dma_start3A_6 = tpu.memref_slice %arg2[%dma_start3A, %dma_start3A_5] : memref<262144x256xf32, #tpu.memory_space<hbm>> -> memref<262144x256xf32, #tpu.memory_space<hbm>>
      tpu.enqueue_indirect_dma source(%dma_start3A_6 : memref<262144x256xf32, #tpu.memory_space<hbm>>) target(%arg8 : memref<8x256xf32, #tpu.memory_space<vmem>>) offsets(%arg7 : memref<8xi32, #tpu.memory_space<vmem>>) semaphore(%arg9 : memref<!tpu.dma_semaphore, #tpu.memory_space<semaphore_mem>>)
      %dma_wait3A = arith.constant 0 : i32
      %dma_wait3A_7 = arith.constant 0 : i32
      %dma_wait3A_8 = tpu.memref_slice %arg2[%dma_wait3A, %dma_wait3A_7] : memref<262144x256xf32, #tpu.memory_space<hbm>> -> memref<262144x256xf32, #tpu.memory_space<hbm>>
      tpu.wait_indirect_dma semaphore(%arg9 : memref<!tpu.dma_semaphore, #tpu.memory_space<semaphore_mem>>) src(%dma_wait3A_8 : memref<262144x256xf32, #tpu.memory_space<hbm>>) dst(%arg8 : memref<8x256xf32, #tpu.memory_space<vmem>>)
      %jit3A = arith.constant 8 : i32
      %div3A = arith.divsi %add3A, %jit3A : i32
      %sign3A = arith.constant 0 : i32
      %sign3A_9 = arith.cmpi sgt, %add3A, %sign3A : i32
      %sign3A_10 = arith.extui %sign3A_9 : i1 to i32
      %sign3A_11 = arith.constant 0 : i32
      %sign3A_12 = arith.cmpi slt, %add3A, %sign3A_11 : i32
      %sign3A_13 = arith.extui %sign3A_12 : i1 to i32
      %sign3A_14 = arith.subi %sign3A_10, %sign3A_13 : i32
      %sign3A_15 = arith.constant 0 : i32
      %sign3A_16 = arith.cmpi sgt, %jit3A, %sign3A_15 : i32
      %sign3A_17 = arith.extui %sign3A_16 : i1 to i32
      %sign3A_18 = arith.constant 0 : i32
      %sign3A_19 = arith.cmpi slt, %jit3A, %sign3A_18 : i32
      %sign3A_20 = arith.extui %sign3A_19 : i1 to i32
      %sign3A_21 = arith.subi %sign3A_17, %sign3A_20 : i32
      %ne3A = arith.cmpi ne, %sign3A_14, %sign3A_21 : i32
      %rem3A = arith.remsi %add3A, %jit3A : i32
      %ne3A_22 = arith.constant 0 : i32
      %ne3A_23 = arith.cmpi ne, %rem3A, %ne3A_22 : i32
      %and3A = arith.andi %ne3A, %ne3A_23 : i1
      %sub3A = arith.constant 1 : i32
      %sub3A_24 = arith.subi %div3A, %sub3A : i32
      %select_n3A = arith.select %and3A, %sub3A_24, %div3A : i32
      %eq3A = arith.constant 0 : i32
      %eq3A_25 = arith.cmpi eq, %select_n3A, %eq3A : i32
      %convert_element_type3A_26 = arith.extui %eq3A_25 : i1 to i32
      %cond3A_27 = arith.constant 0 : i32
      %cond3A_28 = arith.cmpi ne, %convert_element_type3A_26, %cond3A_27 : i32
      scf.if %cond3A_28 {
        %sub3A_87 = arith.constant 0 : i32
        %sub3A_88 = arith.subi %add3A, %sub3A_87 : i32
        %mul3A_89 = arith.constant 8 : i32
        %mul3A_90 = arith.muli %sub3A_88, %mul3A_89 : i32
        "tpu.region"() ({
          %run_scoped3A = tpu.sem_alloc : memref<!tpu.dma_semaphore, #tpu.memory_space<semaphore_mem>>
          %dma_start3A_91 = arith.constant 0 : i32
          %dma_start3A_92 = tpu.memref_slice %arg4[%mul3A_90, %dma_start3A_91] : memref<64x256xf32, #tpu.memory_space<hbm>> -> memref<8x256xf32, #tpu.memory_space<hbm>>
          %dma_start3A_93 = arith.constant 0 : i32
          %dma_start3A_94 = tpu.memref_slice %arg4[%mul3A_90, %dma_start3A_93] : memref<64x256xf32, #tpu.memory_space<hbm>> -> memref<8x256xf32, #tpu.memory_space<hbm>>
          tpu.enqueue_dma source(%arg8 : memref<8x256xf32, #tpu.memory_space<vmem>>) target(%dma_start3A_94 : memref<8x256xf32, #tpu.memory_space<hbm>>) target_semaphore(%run_scoped3A : memref<!tpu.dma_semaphore, #tpu.memory_space<semaphore_mem>>)
          %dma_wait3A_95 = arith.constant 0 : i32
          %dma_wait3A_96 = tpu.memref_slice %arg4[%mul3A_90, %dma_wait3A_95] : memref<64x256xf32, #tpu.memory_space<hbm>> -> memref<8x256xf32, #tpu.memory_space<hbm>>
          %dma_wait3A_97 = arith.constant 0 : i32
          %dma_wait3A_98 = tpu.memref_slice %arg4[%mul3A_90, %dma_wait3A_97] : memref<64x256xf32, #tpu.memory_space<hbm>> -> memref<8x256xf32, #tpu.memory_space<hbm>>
          tpu.wait_dma2 semaphore(%run_scoped3A : memref<!tpu.dma_semaphore, #tpu.memory_space<semaphore_mem>>) src(%arg8 : memref<8x256xf32, #tpu.memory_space<vmem>>) dst(%dma_wait3A_98 : memref<8x256xf32, #tpu.memory_space<hbm>>)
          tpu.yield
        }) : () -> ()
      } else {
      }
      %jit3A_29 = arith.constant 8 : i32
      %div3A_30 = arith.divsi %add3A, %jit3A_29 : i32
      %sign3A_31 = arith.constant 0 : i32
      %sign3A_32 = arith.cmpi sgt, %add3A, %sign3A_31 : i32
      %sign3A_33 = arith.extui %sign3A_32 : i1 to i32
      %sign3A_34 = arith.constant 0 : i32
      %sign3A_35 = arith.cmpi slt, %add3A, %sign3A_34 : i32
      %sign3A_36 = arith.extui %sign3A_35 : i1 to i32
      %sign3A_37 = arith.subi %sign3A_33, %sign3A_36 : i32
      %sign3A_38 = arith.constant 0 : i32
      %sign3A_39 = arith.cmpi sgt, %jit3A_29, %sign3A_38 : i32
      %sign3A_40 = arith.extui %sign3A_39 : i1 to i32
      %sign3A_41 = arith.constant 0 : i32
      %sign3A_42 = arith.cmpi slt, %jit3A_29, %sign3A_41 : i32
      %sign3A_43 = arith.extui %sign3A_42 : i1 to i32
      %sign3A_44 = arith.subi %sign3A_40, %sign3A_43 : i32
      %ne3A_45 = arith.cmpi ne, %sign3A_37, %sign3A_44 : i32
      %rem3A_46 = arith.remsi %add3A, %jit3A_29 : i32
      %ne3A_47 = arith.constant 0 : i32
      %ne3A_48 = arith.cmpi ne, %rem3A_46, %ne3A_47 : i32
      %and3A_49 = arith.andi %ne3A_45, %ne3A_48 : i1
      %sub3A_50 = arith.constant 1 : i32
      %sub3A_51 = arith.subi %div3A_30, %sub3A_50 : i32
      %select_n3A_52 = arith.select %and3A_49, %sub3A_51, %div3A_30 : i32
      %eq3A_53 = arith.constant 1 : i32
      %eq3A_54 = arith.cmpi eq, %select_n3A_52, %eq3A_53 : i32
      %convert_element_type3A_55 = arith.extui %eq3A_54 : i1 to i32
      %cond3A_56 = arith.constant 0 : i32
      %cond3A_57 = arith.cmpi ne, %convert_element_type3A_55, %cond3A_56 : i32
      scf.if %cond3A_57 {
        %sub3A_87 = arith.constant 8 : i32
        %sub3A_88 = arith.subi %add3A, %sub3A_87 : i32
        %mul3A_89 = arith.constant 8 : i32
        %mul3A_90 = arith.muli %sub3A_88, %mul3A_89 : i32
        "tpu.region"() ({
          %run_scoped3A = tpu.sem_alloc : memref<!tpu.dma_semaphore, #tpu.memory_space<semaphore_mem>>
          %dma_start3A_91 = arith.constant 0 : i32
          %dma_start3A_92 = tpu.memref_slice %arg5[%mul3A_90, %dma_start3A_91] : memref<64x256xf32, #tpu.memory_space<hbm>> -> memref<8x256xf32, #tpu.memory_space<hbm>>
          %dma_start3A_93 = arith.constant 0 : i32
          %dma_start3A_94 = tpu.memref_slice %arg5[%mul3A_90, %dma_start3A_93] : memref<64x256xf32, #tpu.memory_space<hbm>> -> memref<8x256xf32, #tpu.memory_space<hbm>>
          tpu.enqueue_dma source(%arg8 : memref<8x256xf32, #tpu.memory_space<vmem>>) target(%dma_start3A_94 : memref<8x256xf32, #tpu.memory_space<hbm>>) target_semaphore(%run_scoped3A : memref<!tpu.dma_semaphore, #tpu.memory_space<semaphore_mem>>)
          %dma_wait3A_95 = arith.constant 0 : i32
          %dma_wait3A_96 = tpu.memref_slice %arg5[%mul3A_90, %dma_wait3A_95] : memref<64x256xf32, #tpu.memory_space<hbm>> -> memref<8x256xf32, #tpu.memory_space<hbm>>
          %dma_wait3A_97 = arith.constant 0 : i32
          %dma_wait3A_98 = tpu.memref_slice %arg5[%mul3A_90, %dma_wait3A_97] : memref<64x256xf32, #tpu.memory_space<hbm>> -> memref<8x256xf32, #tpu.memory_space<hbm>>
          tpu.wait_dma2 semaphore(%run_scoped3A : memref<!tpu.dma_semaphore, #tpu.memory_space<semaphore_mem>>) src(%arg8 : memref<8x256xf32, #tpu.memory_space<vmem>>) dst(%dma_wait3A_98 : memref<8x256xf32, #tpu.memory_space<hbm>>)
          tpu.yield
        }) : () -> ()
      } else {
      }
      %jit3A_58 = arith.constant 8 : i32
      %div3A_59 = arith.divsi %add3A, %jit3A_58 : i32
      %sign3A_60 = arith.constant 0 : i32
      %sign3A_61 = arith.cmpi sgt, %add3A, %sign3A_60 : i32
      %sign3A_62 = arith.extui %sign3A_61 : i1 to i32
      %sign3A_63 = arith.constant 0 : i32
      %sign3A_64 = arith.cmpi slt, %add3A, %sign3A_63 : i32
      %sign3A_65 = arith.extui %sign3A_64 : i1 to i32
      %sign3A_66 = arith.subi %sign3A_62, %sign3A_65 : i32
      %sign3A_67 = arith.constant 0 : i32
      %sign3A_68 = arith.cmpi sgt, %jit3A_58, %sign3A_67 : i32
      %sign3A_69 = arith.extui %sign3A_68 : i1 to i32
      %sign3A_70 = arith.constant 0 : i32
      %sign3A_71 = arith.cmpi slt, %jit3A_58, %sign3A_70 : i32
      %sign3A_72 = arith.extui %sign3A_71 : i1 to i32
      %sign3A_73 = arith.subi %sign3A_69, %sign3A_72 : i32
      %ne3A_74 = arith.cmpi ne, %sign3A_66, %sign3A_73 : i32
      %rem3A_75 = arith.remsi %add3A, %jit3A_58 : i32
      %ne3A_76 = arith.constant 0 : i32
      %ne3A_77 = arith.cmpi ne, %rem3A_75, %ne3A_76 : i32
      %and3A_78 = arith.andi %ne3A_74, %ne3A_77 : i1
      %sub3A_79 = arith.constant 1 : i32
      %sub3A_80 = arith.subi %div3A_59, %sub3A_79 : i32
      %select_n3A_81 = arith.select %and3A_78, %sub3A_80, %div3A_59 : i32
      %eq3A_82 = arith.constant 2 : i32
      %eq3A_83 = arith.cmpi eq, %select_n3A_81, %eq3A_82 : i32
      %convert_element_type3A_84 = arith.extui %eq3A_83 : i1 to i32
      %cond3A_85 = arith.constant 0 : i32
      %cond3A_86 = arith.cmpi ne, %convert_element_type3A_84, %cond3A_85 : i32
      scf.if %cond3A_86 {
        %sub3A_87 = arith.constant 16 : i32
        %sub3A_88 = arith.subi %add3A, %sub3A_87 : i32
        %mul3A_89 = arith.constant 8 : i32
        %mul3A_90 = arith.muli %sub3A_88, %mul3A_89 : i32
        "tpu.region"() ({
          %run_scoped3A = tpu.sem_alloc : memref<!tpu.dma_semaphore, #tpu.memory_space<semaphore_mem>>
          %dma_start3A_91 = arith.constant 0 : i32
          %dma_start3A_92 = tpu.memref_slice %arg6[%mul3A_90, %dma_start3A_91] : memref<64x256xf32, #tpu.memory_space<hbm>> -> memref<8x256xf32, #tpu.memory_space<hbm>>
          %dma_start3A_93 = arith.constant 0 : i32
          %dma_start3A_94 = tpu.memref_slice %arg6[%mul3A_90, %dma_start3A_93] : memref<64x256xf32, #tpu.memory_space<hbm>> -> memref<8x256xf32, #tpu.memory_space<hbm>>
          tpu.enqueue_dma source(%arg8 : memref<8x256xf32, #tpu.memory_space<vmem>>) target(%dma_start3A_94 : memref<8x256xf32, #tpu.memory_space<hbm>>) target_semaphore(%run_scoped3A : memref<!tpu.dma_semaphore, #tpu.memory_space<semaphore_mem>>)
          %dma_wait3A_95 = arith.constant 0 : i32
          %dma_wait3A_96 = tpu.memref_slice %arg6[%mul3A_90, %dma_wait3A_95] : memref<64x256xf32, #tpu.memory_space<hbm>> -> memref<8x256xf32, #tpu.memory_space<hbm>>
          %dma_wait3A_97 = arith.constant 0 : i32
          %dma_wait3A_98 = tpu.memref_slice %arg6[%mul3A_90, %dma_wait3A_97] : memref<64x256xf32, #tpu.memory_space<hbm>> -> memref<8x256xf32, #tpu.memory_space<hbm>>
          tpu.wait_dma2 semaphore(%run_scoped3A : memref<!tpu.dma_semaphore, #tpu.memory_space<semaphore_mem>>) src(%arg8 : memref<8x256xf32, #tpu.memory_space<vmem>>) dst(%dma_wait3A_98 : memref<8x256xf32, #tpu.memory_space<hbm>>)
          tpu.yield
        }) : () -> ()
      } else {
      }
    } else {
    }
    return
  }
}

module attributes {stable_mosaic.version = 14 : i64} {
  func.func @_extract_select_body(%arg0: i32, %arg1: memref<1x4096x128xf32, #tpu.memory_space<vmem>>, %arg2: memref<1x192xi32, #tpu.memory_space<vmem>>, %arg3: memref<64x4096xf32, #tpu.memory_space<vmem>>, %arg4: memref<64x4096xf32, #tpu.memory_space<vmem>>) attributes {dimension_semantics = [#tpu.dimension_semantics<arbitrary>], iteration_bounds = array<i64: 64>, scalar_prefetch = 0 : i64, scratch_operands = 2 : i64, tpu.core_type = #tpu.core_type<tc>, window_params = [{transform_indices = @transform_0, window_bounds = array<i64: 1, 4096, 128>}, {pipeline_mode = #tpu.pipeline_mode<synchronous>, transform_indices = @transform_1, window_bounds = array<i64: 1, 192>}]} {
    %get3A = arith.constant 0 : index
    %get3A_0 = arith.constant 0 : index
    %get3A_1 = arith.constant 0 : index
    %get3A_2 = vector.load %arg1[%get3A, %get3A_0, %get3A_1] : memref<1x4096x128xf32, #tpu.memory_space<vmem>>, vector<1x4096x128xf32>
    %get3A_3 = vector.shape_cast %get3A_2 : vector<1x4096x128xf32> to vector<4096x128xf32>
    %transpose3A = tpu.transpose %get3A_3, [1, 0] : vector<4096x128xf32> -> vector<128x4096xf32>
    %slice3A = vector.extract_strided_slice %transpose3A {offsets = [0, 0], sizes = [1, 4096], strides = [1, 1]} : vector<128x4096xf32> to vector<1x4096xf32>
    %swap3A = arith.index_cast %arg0 : i32 to index
    %swap3A_4 = arith.constant 0 : index
    %swap3A_5 = vector.load %arg3[%swap3A, %swap3A_4] : memref<64x4096xf32, #tpu.memory_space<vmem>>, vector<1x4096xf32>
    tpu.vector_store %arg3[%swap3A, %swap3A_4], %slice3A {strides = array<i32>} : memref<64x4096xf32, #tpu.memory_space<vmem>>, vector<1x4096xf32>,
    %slice3A_6 = vector.extract_strided_slice %transpose3A {offsets = [1, 0], sizes = [1, 4096], strides = [1, 1]} : vector<128x4096xf32> to vector<1x4096xf32>
    %swap3A_7 = arith.index_cast %arg0 : i32 to index
    %swap3A_8 = arith.constant 0 : index
    %swap3A_9 = vector.load %arg4[%swap3A_7, %swap3A_8] : memref<64x4096xf32, #tpu.memory_space<vmem>>, vector<1x4096xf32>
    tpu.vector_store %arg4[%swap3A_7, %swap3A_8], %slice3A_6 {strides = array<i32>} : memref<64x4096xf32, #tpu.memory_space<vmem>>, vector<1x4096xf32>,
    %eq3A = arith.constant 63 : i32
    %eq3A_10 = arith.cmpi eq, %arg0, %eq3A : i32
    %convert_element_type3A = arith.extui %eq3A_10 : i1 to i32
    %cond3A = arith.constant 0 : i32
    %cond3A_11 = arith.cmpi ne, %convert_element_type3A, %cond3A : i32
    scf.if %cond3A_11 {
      %get3A_12 = arith.constant 0 : index
      %get3A_13 = arith.constant 0 : index
      %get3A_14 = vector.load %arg3[%get3A_12, %get3A_13] : memref<64x4096xf32, #tpu.memory_space<vmem>>, vector<64x4096xf32>
      %get3A_15 = arith.constant 0 : index
      %get3A_16 = arith.constant 0 : index
      %get3A_17 = vector.load %arg4[%get3A_15, %get3A_16] : memref<64x4096xf32, #tpu.memory_space<vmem>>, vector<64x4096xf32>
      %bitcast_convert_type3A = tpu.bitcast %get3A_14 : vector<64x4096xf32> -> vector<64x4096xi32>
      %ge3A = arith.constant 0 : i32
      %ge3A_18 = vector.broadcast %ge3A : i32 to vector<64x4096xi32>
      %ge3A_19 = arith.cmpi sge, %bitcast_convert_type3A, %ge3A_18 : vector<64x4096xi32>
      %sub3A = arith.constant -2147483648 : i32
      %sub3A_20 = vector.broadcast %sub3A : i32 to vector<64x4096xi32>
      %sub3A_21 = arith.subi %sub3A_20, %bitcast_convert_type3A : vector<64x4096xi32>
      %select_n3A = arith.select %ge3A_19, %bitcast_convert_type3A, %sub3A_21 : vector<64x4096xi1>, vector<64x4096xi32>
      %bitcast_convert_type3A_22 = tpu.bitcast %get3A_17 : vector<64x4096xf32> -> vector<64x4096xi32>
      %ge3A_23 = arith.constant 0 : i32
      %ge3A_24 = vector.broadcast %ge3A_23 : i32 to vector<64x4096xi32>
      %ge3A_25 = arith.cmpi sge, %bitcast_convert_type3A_22, %ge3A_24 : vector<64x4096xi32>
      %sub3A_26 = arith.constant -2147483648 : i32
      %sub3A_27 = vector.broadcast %sub3A_26 : i32 to vector<64x4096xi32>
      %sub3A_28 = arith.subi %sub3A_27, %bitcast_convert_type3A_22 : vector<64x4096xi32>
      %select_n3A_29 = arith.select %ge3A_25, %bitcast_convert_type3A_22, %sub3A_28 : vector<64x4096xi1>, vector<64x4096xi32>
      %iota3A = tpu.iota {dimensions = array<i32: 1>} : vector<64x4096xi32>
      %broadcast_in_dim3A = arith.constant -2147483648 : i32
      %broadcast_in_dim3A_30 = vector.broadcast %broadcast_in_dim3A : i32 to vector<64x1xi32>
      %scan3A = arith.constant 2048 : i32
      %scan3A_31 = arith.constant -2147483648 : i32
      %scan3A_32 = arith.constant 0 : i32
      %scan3A_33 = arith.constant 32 : i32
      %scan3A_34 = arith.addi %scan3A_32, %scan3A_33 : i32
      %scan3A_35 = arith.constant 1 : i32
      %scan3A_36:2 = scf.for %scan3A_126 = %scan3A_32 to %scan3A_34 step %scan3A_35 iter_args(%scan3A_127 = %broadcast_in_dim3A_30, %scan3A_128 = %scan3A_31) -> (vector<64x1xi32>, i32)  : i32 {
        %add3A_129 = vector.broadcast %scan3A_128 : i32 to vector<64x1xi32>
        %add3A_130 = arith.addi %scan3A_127, %add3A_129 : vector<64x1xi32>
        %lt3A_131 = vector.broadcast %add3A_130 : vector<64x1xi32> to vector<64x4096xi32>
        %lt3A_132 = arith.cmpi slt, %select_n3A, %lt3A_131 : vector<64x4096xi32>
        %convert_element_type3A_133 = arith.extui %lt3A_132 : vector<64x4096xi1> to vector<64x4096xi32>
        %reduce_sum3A_134 = arith.constant dense<0> : vector<64xi32>
        %reduce_sum3A_135 = vector.multi_reduction <add>, %convert_element_type3A_133, %reduce_sum3A_134 [1] : vector<64x4096xi32> to vector<64xi32>
        %broadcast_in_dim3A_136 = vector.shape_cast %reduce_sum3A_135 : vector<64xi32> to vector<64x1xi32>
        %le3A = vector.broadcast %scan3A : i32 to vector<64x1xi32>
        %le3A_137 = arith.cmpi sle, %broadcast_in_dim3A_136, %le3A : vector<64x1xi32>
        %select_n3A_138 = arith.select %le3A_137, %add3A_130, %scan3A_127 : vector<64x1xi1>, vector<64x1xi32>
        %shift_right_logical3A = arith.constant 1 : i32
        %shift_right_logical3A_139 = arith.shrui %scan3A_128, %shift_right_logical3A : i32
        scf.yield %select_n3A_138, %shift_right_logical3A_139 : vector<64x1xi32>, i32
      }
      %eq3A_37 = vector.broadcast %scan3A_36#0 : vector<64x1xi32> to vector<64x4096xi32>
      %eq3A_38 = arith.cmpi eq, %select_n3A, %eq3A_37 : vector<64x4096xi32>
      %convert_element_type3A_39 = arith.extui %eq3A_38 : vector<64x4096xi1> to vector<64x4096xi32>
      %reduce_sum3A = arith.constant dense<0> : vector<64xi32>
      %reduce_sum3A_40 = vector.multi_reduction <add>, %convert_element_type3A_39, %reduce_sum3A [1] : vector<64x4096xi32> to vector<64xi32>
      %broadcast_in_dim3A_41 = vector.shape_cast %reduce_sum3A_40 : vector<64xi32> to vector<64x1xi32>
      %eq3A_42 = arith.constant 1 : i32
      %eq3A_43 = vector.broadcast %eq3A_42 : i32 to vector<64x1xi32>
      %eq3A_44 = arith.cmpi eq, %broadcast_in_dim3A_41, %eq3A_43 : vector<64x1xi32>
      %reduce_and3A = arith.constant 1.000000e+00 : f32
      %reduce_and3A_45 = arith.constant 0.000000e+00 : f32
      %reduce_and3A_46 = vector.broadcast %reduce_and3A : f32 to vector<64x1xf32>
      %reduce_and3A_47 = vector.broadcast %reduce_and3A_45 : f32 to vector<64x1xf32>
      %reduce_and3A_48 = arith.select %eq3A_44, %reduce_and3A_46, %reduce_and3A_47 : vector<64x1xi1>, vector<64x1xf32>
      %reduce_and3A_49 = vector.shape_cast %reduce_and3A_48 : vector<64x1xf32> to vector<1x64x1xf32>
      %reduce_and3A_50 = arith.constant dense<0x7F800000> : vector<1xf32>
      %reduce_and3A_51 = vector.multi_reduction <minimumf>, %reduce_and3A_49, %reduce_and3A_50 [1, 2] : vector<1x64x1xf32> to vector<1xf32>
      %reduce_and3A_52 = vector.shape_cast %reduce_and3A_51 : vector<1xf32> to vector<1x1x1xf32>
      %reduce_and3A_53 = vector.extract %reduce_and3A_52[0, 0, 0] : f32 from vector<1x1x1xf32>
      %reduce_and3A_54 = arith.constant 0.000000e+00 : f32
      %reduce_and3A_55 = arith.cmpf ogt, %reduce_and3A_53, %reduce_and3A_54 : f32
      %convert_element_type3A_56 = arith.extui %reduce_and3A_55 : i1 to i32
      %cond3A_57 = arith.constant 2048 : i32
      %cond3A_58 = arith.constant 0 : i32
      %cond3A_59 = arith.cmpi ne, %convert_element_type3A_56, %cond3A_58 : i32
      %cond3A_60 = scf.if %cond3A_59 -> (vector<64x1xi32>) {
        %jit3A = arith.constant 0 : i32
        %broadcast_in_dim3A_126 = vector.broadcast %jit3A : i32 to vector<64x4096xi32>
        %select_n3A_127 = arith.select %eq3A_38, %iota3A, %broadcast_in_dim3A_126 : vector<64x4096xi1>, vector<64x4096xi32>
        %reduce_sum3A_128 = arith.constant dense<0> : vector<64xi32>
        %reduce_sum3A_129 = vector.multi_reduction <add>, %select_n3A_127, %reduce_sum3A_128 [1] : vector<64x4096xi32> to vector<64xi32>
        %broadcast_in_dim3A_130 = vector.shape_cast %reduce_sum3A_129 : vector<64xi32> to vector<64x1xi32>
        scf.yield %broadcast_in_dim3A_130 : vector<64x1xi32>
      } else {
        %lt3A_126 = vector.broadcast %scan3A_36#0 : vector<64x1xi32> to vector<64x4096xi32>
        %lt3A_127 = arith.cmpi slt, %select_n3A, %lt3A_126 : vector<64x4096xi32>
        %convert_element_type3A_128 = arith.extui %lt3A_127 : vector<64x4096xi1> to vector<64x4096xi32>
        %reduce_sum3A_129 = arith.constant dense<0> : vector<64xi32>
        %reduce_sum3A_130 = vector.multi_reduction <add>, %convert_element_type3A_128, %reduce_sum3A_129 [1] : vector<64x4096xi32> to vector<64xi32>
        %broadcast_in_dim3A_131 = vector.shape_cast %reduce_sum3A_130 : vector<64xi32> to vector<64x1xi32>
        %sub3A_132 = vector.broadcast %cond3A_57 : i32 to vector<64x1xi32>
        %sub3A_133 = arith.subi %sub3A_132, %broadcast_in_dim3A_131 : vector<64x1xi32>
        %broadcast_in_dim3A_134 = arith.constant 0 : i32
        %broadcast_in_dim3A_135 = vector.broadcast %broadcast_in_dim3A_134 : i32 to vector<64x1xi32>
        %scan3A_136 = arith.constant 2048 : i32
        %scan3A_137 = arith.constant 0 : i32
        %scan3A_138 = arith.constant 12 : i32
        %scan3A_139 = arith.addi %scan3A_137, %scan3A_138 : i32
        %scan3A_140 = arith.constant 1 : i32
        %scan3A_141:2 = scf.for %scan3A_142 = %scan3A_137 to %scan3A_139 step %scan3A_140 iter_args(%scan3A_143 = %broadcast_in_dim3A_135, %scan3A_144 = %scan3A_136) -> (vector<64x1xi32>, i32)  : i32 {
          %add3A_145 = vector.broadcast %scan3A_144 : i32 to vector<64x1xi32>
          %add3A_146 = arith.addi %scan3A_143, %add3A_145 : vector<64x1xi32>
          %lt3A_147 = vector.broadcast %add3A_146 : vector<64x1xi32> to vector<64x4096xi32>
          %lt3A_148 = arith.cmpi slt, %iota3A, %lt3A_147 : vector<64x4096xi32>
          %and3A_149 = arith.andi %eq3A_38, %lt3A_148 : vector<64x4096xi1>
          %convert_element_type3A_150 = arith.extui %and3A_149 : vector<64x4096xi1> to vector<64x4096xi32>
          %reduce_sum3A_151 = arith.constant dense<0> : vector<64xi32>
          %reduce_sum3A_152 = vector.multi_reduction <add>, %convert_element_type3A_150, %reduce_sum3A_151 [1] : vector<64x4096xi32> to vector<64xi32>
          %broadcast_in_dim3A_153 = vector.shape_cast %reduce_sum3A_152 : vector<64xi32> to vector<64x1xi32>
          %le3A = arith.cmpi sle, %broadcast_in_dim3A_153, %sub3A_133 : vector<64x1xi32>
          %select_n3A_154 = arith.select %le3A, %add3A_146, %scan3A_143 : vector<64x1xi1>, vector<64x1xi32>
          %shift_right_logical3A = arith.constant 1 : i32
          %shift_right_logical3A_155 = arith.shrui %scan3A_144, %shift_right_logical3A : i32
          scf.yield %select_n3A_154, %shift_right_logical3A_155 : vector<64x1xi32>, i32
        }
        scf.yield %scan3A_141#0 : vector<64x1xi32>
      }
      %lt3A = vector.broadcast %scan3A_36#0 : vector<64x1xi32> to vector<64x4096xi32>
      %lt3A_61 = arith.cmpi slt, %select_n3A, %lt3A : vector<64x4096xi32>
      %lt3A_62 = vector.broadcast %cond3A_60 : vector<64x1xi32> to vector<64x4096xi32>
      %lt3A_63 = arith.cmpi slt, %iota3A, %lt3A_62 : vector<64x4096xi32>
      %and3A = arith.andi %eq3A_38, %lt3A_63 : vector<64x4096xi1>
      %or3A = arith.ori %lt3A_61, %and3A : vector<64x4096xi1>
      %not3A = arith.constant dense<true> : vector<64x4096xi1>
      %not3A_64 = arith.xori %or3A, %not3A : vector<64x4096xi1>
      %ne3A = vector.broadcast %cond3A_60 : vector<64x1xi32> to vector<64x4096xi32>
      %ne3A_65 = arith.cmpi ne, %iota3A, %ne3A : vector<64x4096xi32>
      %and3A_66 = arith.andi %not3A_64, %ne3A_65 : vector<64x4096xi1>
      %broadcast_in_dim3A_67 = arith.constant -2147483648 : i32
      %broadcast_in_dim3A_68 = vector.broadcast %broadcast_in_dim3A_67 : i32 to vector<64x1xi32>
      %scan3A_69 = arith.constant 1024 : i32
      %scan3A_70 = arith.constant 1023 : i32
      %scan3A_71 = arith.constant -2147483648 : i32
      %scan3A_72 = arith.constant 0 : i32
      %scan3A_73 = arith.constant 32 : i32
      %scan3A_74 = arith.addi %scan3A_72, %scan3A_73 : i32
      %scan3A_75 = arith.constant 1 : i32
      %scan3A_76:3 = scf.for %scan3A_126 = %scan3A_72 to %scan3A_74 step %scan3A_75 iter_args(%scan3A_127 = %broadcast_in_dim3A_68, %scan3A_128 = %broadcast_in_dim3A_68, %scan3A_129 = %scan3A_71) -> (vector<64x1xi32>, vector<64x1xi32>, i32)  : i32 {
        %add3A_130 = vector.broadcast %scan3A_129 : i32 to vector<64x1xi32>
        %add3A_131 = arith.addi %scan3A_127, %add3A_130 : vector<64x1xi32>
        %add3A_132 = vector.broadcast %scan3A_129 : i32 to vector<64x1xi32>
        %add3A_133 = arith.addi %scan3A_128, %add3A_132 : vector<64x1xi32>
        %lt3A_134 = vector.broadcast %add3A_131 : vector<64x1xi32> to vector<64x4096xi32>
        %lt3A_135 = arith.cmpi slt, %select_n3A_29, %lt3A_134 : vector<64x4096xi32>
        %and3A_136 = arith.andi %or3A, %lt3A_135 : vector<64x4096xi1>
        %jit3A = arith.constant 1 : i32
        %jit3A_137 = arith.constant 0 : i32
        %broadcast_in_dim3A_138 = vector.broadcast %jit3A : i32 to vector<64x4096xi32>
        %broadcast_in_dim3A_139 = vector.broadcast %jit3A_137 : i32 to vector<64x4096xi32>
        %select_n3A_140 = arith.select %and3A_136, %broadcast_in_dim3A_138, %broadcast_in_dim3A_139 : vector<64x4096xi1>, vector<64x4096xi32>
        %lt3A_141 = vector.broadcast %add3A_133 : vector<64x1xi32> to vector<64x4096xi32>
        %lt3A_142 = arith.cmpi slt, %select_n3A_29, %lt3A_141 : vector<64x4096xi32>
        %and3A_143 = arith.andi %and3A_66, %lt3A_142 : vector<64x4096xi1>
        %jit3A_144 = arith.constant 8192 : i32
        %jit3A_145 = arith.constant 0 : i32
        %broadcast_in_dim3A_146 = vector.broadcast %jit3A_144 : i32 to vector<64x4096xi32>
        %broadcast_in_dim3A_147 = vector.broadcast %jit3A_145 : i32 to vector<64x4096xi32>
        %select_n3A_148 = arith.select %and3A_143, %broadcast_in_dim3A_146, %broadcast_in_dim3A_147 : vector<64x4096xi1>, vector<64x4096xi32>
        %add3A_149 = arith.addi %select_n3A_140, %select_n3A_148 : vector<64x4096xi32>
        %reduce_sum3A_150 = arith.constant dense<0> : vector<64xi32>
        %reduce_sum3A_151 = vector.multi_reduction <add>, %add3A_149, %reduce_sum3A_150 [1] : vector<64x4096xi32> to vector<64xi32>
        %broadcast_in_dim3A_152 = vector.shape_cast %reduce_sum3A_151 : vector<64xi32> to vector<64x1xi32>
        %and3A_153 = arith.constant 8191 : i32
        %and3A_154 = vector.broadcast %and3A_153 : i32 to vector<64x1xi32>
        %and3A_155 = arith.andi %broadcast_in_dim3A_152, %and3A_154 : vector<64x1xi32>
        %shift_right_logical3A = arith.constant 13 : i32
        %shift_right_logical3A_156 = vector.broadcast %shift_right_logical3A : i32 to vector<64x1xi32>
        %shift_right_logical3A_157 = arith.shrui %broadcast_in_dim3A_152, %shift_right_logical3A_156 : vector<64x1xi32>
        %le3A = vector.broadcast %scan3A_69 : i32 to vector<64x1xi32>
        %le3A_158 = arith.cmpi sle, %and3A_155, %le3A : vector<64x1xi32>
        %select_n3A_159 = arith.select %le3A_158, %add3A_131, %scan3A_127 : vector<64x1xi1>, vector<64x1xi32>
        %le3A_160 = vector.broadcast %scan3A_70 : i32 to vector<64x1xi32>
        %le3A_161 = arith.cmpi sle, %shift_right_logical3A_157, %le3A_160 : vector<64x1xi32>
        %select_n3A_162 = arith.select %le3A_161, %add3A_133, %scan3A_128 : vector<64x1xi1>, vector<64x1xi32>
        %shift_right_logical3A_163 = arith.constant 1 : i32
        %shift_right_logical3A_164 = arith.shrui %scan3A_129, %shift_right_logical3A_163 : i32
        scf.yield %select_n3A_159, %select_n3A_162, %shift_right_logical3A_164 : vector<64x1xi32>, vector<64x1xi32>, i32
      }
      %eq3A_77 = vector.broadcast %scan3A_76#0 : vector<64x1xi32> to vector<64x4096xi32>
      %eq3A_78 = arith.cmpi eq, %select_n3A_29, %eq3A_77 : vector<64x4096xi32>
      %and3A_79 = arith.andi %or3A, %eq3A_78 : vector<64x4096xi1>
      %eq3A_80 = vector.broadcast %scan3A_76#1 : vector<64x1xi32> to vector<64x4096xi32>
      %eq3A_81 = arith.cmpi eq, %select_n3A_29, %eq3A_80 : vector<64x4096xi32>
      %and3A_82 = arith.andi %and3A_66, %eq3A_81 : vector<64x4096xi1>
      %convert_element_type3A_83 = arith.extui %and3A_79 : vector<64x4096xi1> to vector<64x4096xi32>
      %reduce_sum3A_84 = arith.constant dense<0> : vector<64xi32>
      %reduce_sum3A_85 = vector.multi_reduction <add>, %convert_element_type3A_83, %reduce_sum3A_84 [1] : vector<64x4096xi32> to vector<64xi32>
      %broadcast_in_dim3A_86 = vector.shape_cast %reduce_sum3A_85 : vector<64xi32> to vector<64x1xi32>
      %eq3A_87 = arith.constant 1 : i32
      %eq3A_88 = vector.broadcast %eq3A_87 : i32 to vector<64x1xi32>
      %eq3A_89 = arith.cmpi eq, %broadcast_in_dim3A_86, %eq3A_88 : vector<64x1xi32>
      %convert_element_type3A_90 = arith.extui %and3A_82 : vector<64x4096xi1> to vector<64x4096xi32>
      %reduce_sum3A_91 = arith.constant dense<0> : vector<64xi32>
      %reduce_sum3A_92 = vector.multi_reduction <add>, %convert_element_type3A_90, %reduce_sum3A_91 [1] : vector<64x4096xi32> to vector<64xi32>
      %broadcast_in_dim3A_93 = vector.shape_cast %reduce_sum3A_92 : vector<64xi32> to vector<64x1xi32>
      %eq3A_94 = arith.constant 1 : i32
      %eq3A_95 = vector.broadcast %eq3A_94 : i32 to vector<64x1xi32>
      %eq3A_96 = arith.cmpi eq, %broadcast_in_dim3A_93, %eq3A_95 : vector<64x1xi32>
      %and3A_97 = arith.andi %eq3A_89, %eq3A_96 : vector<64x1xi1>
      %reduce_and3A_98 = arith.constant 1.000000e+00 : f32
      %reduce_and3A_99 = arith.constant 0.000000e+00 : f32
      %reduce_and3A_100 = vector.broadcast %reduce_and3A_98 : f32 to vector<64x1xf32>
      %reduce_and3A_101 = vector.broadcast %reduce_and3A_99 : f32 to vector<64x1xf32>
      %reduce_and3A_102 = arith.select %and3A_97, %reduce_and3A_100, %reduce_and3A_101 : vector<64x1xi1>, vector<64x1xf32>
      %reduce_and3A_103 = vector.shape_cast %reduce_and3A_102 : vector<64x1xf32> to vector<1x64x1xf32>
      %reduce_and3A_104 = arith.constant dense<0x7F800000> : vector<1xf32>
      %reduce_and3A_105 = vector.multi_reduction <minimumf>, %reduce_and3A_103, %reduce_and3A_104 [1, 2] : vector<1x64x1xf32> to vector<1xf32>
      %reduce_and3A_106 = vector.shape_cast %reduce_and3A_105 : vector<1xf32> to vector<1x1x1xf32>
      %reduce_and3A_107 = vector.extract %reduce_and3A_106[0, 0, 0] : f32 from vector<1x1x1xf32>
      %reduce_and3A_108 = arith.constant 0.000000e+00 : f32
      %reduce_and3A_109 = arith.cmpf ogt, %reduce_and3A_107, %reduce_and3A_108 : f32
      %convert_element_type3A_110 = arith.extui %reduce_and3A_109 : i1 to i32
      %cond3A_111 = arith.constant 1024 : i32
      %cond3A_112 = arith.constant 1023 : i32
      %cond3A_113 = arith.constant 0 : i32
      %cond3A_114 = arith.cmpi ne, %convert_element_type3A_110, %cond3A_113 : i32
      %cond3A_115:2 = scf.if %cond3A_114 -> (vector<64x1xi32>, vector<64x1xi32>) {
        %jit3A = arith.constant 0 : i32
        %broadcast_in_dim3A_126 = vector.broadcast %jit3A : i32 to vector<64x4096xi32>
        %select_n3A_127 = arith.select %and3A_79, %iota3A, %broadcast_in_dim3A_126 : vector<64x4096xi1>, vector<64x4096xi32>
        %reduce_sum3A_128 = arith.constant dense<0> : vector<64xi32>
        %reduce_sum3A_129 = vector.multi_reduction <add>, %select_n3A_127, %reduce_sum3A_128 [1] : vector<64x4096xi32> to vector<64xi32>
        %broadcast_in_dim3A_130 = vector.shape_cast %reduce_sum3A_129 : vector<64xi32> to vector<64x1xi32>
        %jit3A_131 = arith.constant 0 : i32
        %broadcast_in_dim3A_132 = vector.broadcast %jit3A_131 : i32 to vector<64x4096xi32>
        %select_n3A_133 = arith.select %and3A_82, %iota3A, %broadcast_in_dim3A_132 : vector<64x4096xi1>, vector<64x4096xi32>
        %reduce_sum3A_134 = arith.constant dense<0> : vector<64xi32>
        %reduce_sum3A_135 = vector.multi_reduction <add>, %select_n3A_133, %reduce_sum3A_134 [1] : vector<64x4096xi32> to vector<64xi32>
        %broadcast_in_dim3A_136 = vector.shape_cast %reduce_sum3A_135 : vector<64xi32> to vector<64x1xi32>
        scf.yield %broadcast_in_dim3A_130, %broadcast_in_dim3A_136 : vector<64x1xi32>, vector<64x1xi32>
      } else {
        %lt3A_126 = vector.broadcast %scan3A_76#0 : vector<64x1xi32> to vector<64x4096xi32>
        %lt3A_127 = arith.cmpi slt, %select_n3A_29, %lt3A_126 : vector<64x4096xi32>
        %and3A_128 = arith.andi %or3A, %lt3A_127 : vector<64x4096xi1>
        %convert_element_type3A_129 = arith.extui %and3A_128 : vector<64x4096xi1> to vector<64x4096xi32>
        %reduce_sum3A_130 = arith.constant dense<0> : vector<64xi32>
        %reduce_sum3A_131 = vector.multi_reduction <add>, %convert_element_type3A_129, %reduce_sum3A_130 [1] : vector<64x4096xi32> to vector<64xi32>
        %broadcast_in_dim3A_132 = vector.shape_cast %reduce_sum3A_131 : vector<64xi32> to vector<64x1xi32>
        %sub3A_133 = vector.broadcast %cond3A_111 : i32 to vector<64x1xi32>
        %sub3A_134 = arith.subi %sub3A_133, %broadcast_in_dim3A_132 : vector<64x1xi32>
        %lt3A_135 = vector.broadcast %scan3A_76#1 : vector<64x1xi32> to vector<64x4096xi32>
        %lt3A_136 = arith.cmpi slt, %select_n3A_29, %lt3A_135 : vector<64x4096xi32>
        %and3A_137 = arith.andi %and3A_66, %lt3A_136 : vector<64x4096xi1>
        %convert_element_type3A_138 = arith.extui %and3A_137 : vector<64x4096xi1> to vector<64x4096xi32>
        %reduce_sum3A_139 = arith.constant dense<0> : vector<64xi32>
        %reduce_sum3A_140 = vector.multi_reduction <add>, %convert_element_type3A_138, %reduce_sum3A_139 [1] : vector<64x4096xi32> to vector<64xi32>
        %broadcast_in_dim3A_141 = vector.shape_cast %reduce_sum3A_140 : vector<64xi32> to vector<64x1xi32>
        %sub3A_142 = vector.broadcast %cond3A_112 : i32 to vector<64x1xi32>
        %sub3A_143 = arith.subi %sub3A_142, %broadcast_in_dim3A_141 : vector<64x1xi32>
        %broadcast_in_dim3A_144 = arith.constant -2147483648 : i32
        %broadcast_in_dim3A_145 = vector.broadcast %broadcast_in_dim3A_144 : i32 to vector<64x1xi32>
        %scan3A_146 = arith.constant -2147483648 : i32
        %scan3A_147 = arith.constant 0 : i32
        %scan3A_148 = arith.constant 32 : i32
        %scan3A_149 = arith.addi %scan3A_147, %scan3A_148 : i32
        %scan3A_150 = arith.constant 1 : i32
        %scan3A_151:3 = scf.for %scan3A_182 = %scan3A_147 to %scan3A_149 step %scan3A_150 iter_args(%scan3A_183 = %broadcast_in_dim3A_145, %scan3A_184 = %broadcast_in_dim3A_145, %scan3A_185 = %scan3A_146) -> (vector<64x1xi32>, vector<64x1xi32>, i32)  : i32 {
          %add3A_186 = vector.broadcast %scan3A_185 : i32 to vector<64x1xi32>
          %add3A_187 = arith.addi %scan3A_183, %add3A_186 : vector<64x1xi32>
          %add3A_188 = vector.broadcast %scan3A_185 : i32 to vector<64x1xi32>
          %add3A_189 = arith.addi %scan3A_184, %add3A_188 : vector<64x1xi32>
          %lt3A_190 = vector.broadcast %add3A_187 : vector<64x1xi32> to vector<64x4096xi32>
          %lt3A_191 = arith.cmpi slt, %select_n3A, %lt3A_190 : vector<64x4096xi32>
          %and3A_192 = arith.andi %and3A_79, %lt3A_191 : vector<64x4096xi1>
          %jit3A = arith.constant 1 : i32
          %jit3A_193 = arith.constant 0 : i32
          %broadcast_in_dim3A_194 = vector.broadcast %jit3A : i32 to vector<64x4096xi32>
          %broadcast_in_dim3A_195 = vector.broadcast %jit3A_193 : i32 to vector<64x4096xi32>
          %select_n3A_196 = arith.select %and3A_192, %broadcast_in_dim3A_194, %broadcast_in_dim3A_195 : vector<64x4096xi1>, vector<64x4096xi32>
          %lt3A_197 = vector.broadcast %add3A_189 : vector<64x1xi32> to vector<64x4096xi32>
          %lt3A_198 = arith.cmpi slt, %select_n3A, %lt3A_197 : vector<64x4096xi32>
          %and3A_199 = arith.andi %and3A_82, %lt3A_198 : vector<64x4096xi1>
          %jit3A_200 = arith.constant 8192 : i32
          %jit3A_201 = arith.constant 0 : i32
          %broadcast_in_dim3A_202 = vector.broadcast %jit3A_200 : i32 to vector<64x4096xi32>
          %broadcast_in_dim3A_203 = vector.broadcast %jit3A_201 : i32 to vector<64x4096xi32>
          %select_n3A_204 = arith.select %and3A_199, %broadcast_in_dim3A_202, %broadcast_in_dim3A_203 : vector<64x4096xi1>, vector<64x4096xi32>
          %add3A_205 = arith.addi %select_n3A_196, %select_n3A_204 : vector<64x4096xi32>
          %reduce_sum3A_206 = arith.constant dense<0> : vector<64xi32>
          %reduce_sum3A_207 = vector.multi_reduction <add>, %add3A_205, %reduce_sum3A_206 [1] : vector<64x4096xi32> to vector<64xi32>
          %broadcast_in_dim3A_208 = vector.shape_cast %reduce_sum3A_207 : vector<64xi32> to vector<64x1xi32>
          %and3A_209 = arith.constant 8191 : i32
          %and3A_210 = vector.broadcast %and3A_209 : i32 to vector<64x1xi32>
          %and3A_211 = arith.andi %broadcast_in_dim3A_208, %and3A_210 : vector<64x1xi32>
          %shift_right_logical3A = arith.constant 13 : i32
          %shift_right_logical3A_212 = vector.broadcast %shift_right_logical3A : i32 to vector<64x1xi32>
          %shift_right_logical3A_213 = arith.shrui %broadcast_in_dim3A_208, %shift_right_logical3A_212 : vector<64x1xi32>
          %le3A = arith.cmpi sle, %and3A_211, %sub3A_134 : vector<64x1xi32>
          %select_n3A_214 = arith.select %le3A, %add3A_187, %scan3A_183 : vector<64x1xi1>, vector<64x1xi32>
          %le3A_215 = arith.cmpi sle, %shift_right_logical3A_213, %sub3A_143 : vector<64x1xi32>
          %select_n3A_216 = arith.select %le3A_215, %add3A_189, %scan3A_184 : vector<64x1xi1>, vector<64x1xi32>
          %shift_right_logical3A_217 = arith.constant 1 : i32
          %shift_right_logical3A_218 = arith.shrui %scan3A_185, %shift_right_logical3A_217 : i32
          scf.yield %select_n3A_214, %select_n3A_216, %shift_right_logical3A_218 : vector<64x1xi32>, vector<64x1xi32>, i32
        }
        %lt3A_152 = vector.broadcast %scan3A_151#0 : vector<64x1xi32> to vector<64x4096xi32>
        %lt3A_153 = arith.cmpi slt, %select_n3A, %lt3A_152 : vector<64x4096xi32>
        %and3A_154 = arith.andi %and3A_79, %lt3A_153 : vector<64x4096xi1>
        %convert_element_type3A_155 = arith.extui %and3A_154 : vector<64x4096xi1> to vector<64x4096xi32>
        %reduce_sum3A_156 = arith.constant dense<0> : vector<64xi32>
        %reduce_sum3A_157 = vector.multi_reduction <add>, %convert_element_type3A_155, %reduce_sum3A_156 [1] : vector<64x4096xi32> to vector<64xi32>
        %broadcast_in_dim3A_158 = vector.shape_cast %reduce_sum3A_157 : vector<64xi32> to vector<64x1xi32>
        %sub3A_159 = arith.subi %sub3A_134, %broadcast_in_dim3A_158 : vector<64x1xi32>
        %lt3A_160 = vector.broadcast %scan3A_151#1 : vector<64x1xi32> to vector<64x4096xi32>
        %lt3A_161 = arith.cmpi slt, %select_n3A, %lt3A_160 : vector<64x4096xi32>
        %and3A_162 = arith.andi %and3A_82, %lt3A_161 : vector<64x4096xi1>
        %convert_element_type3A_163 = arith.extui %and3A_162 : vector<64x4096xi1> to vector<64x4096xi32>
        %reduce_sum3A_164 = arith.constant dense<0> : vector<64xi32>
        %reduce_sum3A_165 = vector.multi_reduction <add>, %convert_element_type3A_163, %reduce_sum3A_164 [1] : vector<64x4096xi32> to vector<64xi32>
        %broadcast_in_dim3A_166 = vector.shape_cast %reduce_sum3A_165 : vector<64xi32> to vector<64x1xi32>
        %sub3A_167 = arith.subi %sub3A_143, %broadcast_in_dim3A_166 : vector<64x1xi32>
        %eq3A_168 = vector.broadcast %scan3A_151#0 : vector<64x1xi32> to vector<64x4096xi32>
        %eq3A_169 = arith.cmpi eq, %select_n3A, %eq3A_168 : vector<64x4096xi32>
        %and3A_170 = arith.andi %and3A_79, %eq3A_169 : vector<64x4096xi1>
        %eq3A_171 = vector.broadcast %scan3A_151#1 : vector<64x1xi32> to vector<64x4096xi32>
        %eq3A_172 = arith.cmpi eq, %select_n3A, %eq3A_171 : vector<64x4096xi32>
        %and3A_173 = arith.andi %and3A_82, %eq3A_172 : vector<64x4096xi1>
        %broadcast_in_dim3A_174 = arith.constant 0 : i32
        %broadcast_in_dim3A_175 = vector.broadcast %broadcast_in_dim3A_174 : i32 to vector<64x1xi32>
        %scan3A_176 = arith.constant 2048 : i32
        %scan3A_177 = arith.constant 0 : i32
        %scan3A_178 = arith.constant 12 : i32
        %scan3A_179 = arith.addi %scan3A_177, %scan3A_178 : i32
        %scan3A_180 = arith.constant 1 : i32
        %scan3A_181:3 = scf.for %scan3A_182 = %scan3A_177 to %scan3A_179 step %scan3A_180 iter_args(%scan3A_183 = %broadcast_in_dim3A_175, %scan3A_184 = %broadcast_in_dim3A_175, %scan3A_185 = %scan3A_176) -> (vector<64x1xi32>, vector<64x1xi32>, i32)  : i32 {
          %add3A_186 = vector.broadcast %scan3A_185 : i32 to vector<64x1xi32>
          %add3A_187 = arith.addi %scan3A_183, %add3A_186 : vector<64x1xi32>
          %add3A_188 = vector.broadcast %scan3A_185 : i32 to vector<64x1xi32>
          %add3A_189 = arith.addi %scan3A_184, %add3A_188 : vector<64x1xi32>
          %lt3A_190 = vector.broadcast %add3A_187 : vector<64x1xi32> to vector<64x4096xi32>
          %lt3A_191 = arith.cmpi slt, %iota3A, %lt3A_190 : vector<64x4096xi32>
          %and3A_192 = arith.andi %and3A_170, %lt3A_191 : vector<64x4096xi1>
          %jit3A = arith.constant 1 : i32
          %jit3A_193 = arith.constant 0 : i32
          %broadcast_in_dim3A_194 = vector.broadcast %jit3A : i32 to vector<64x4096xi32>
          %broadcast_in_dim3A_195 = vector.broadcast %jit3A_193 : i32 to vector<64x4096xi32>
          %select_n3A_196 = arith.select %and3A_192, %broadcast_in_dim3A_194, %broadcast_in_dim3A_195 : vector<64x4096xi1>, vector<64x4096xi32>
          %lt3A_197 = vector.broadcast %add3A_189 : vector<64x1xi32> to vector<64x4096xi32>
          %lt3A_198 = arith.cmpi slt, %iota3A, %lt3A_197 : vector<64x4096xi32>
          %and3A_199 = arith.andi %and3A_173, %lt3A_198 : vector<64x4096xi1>
          %jit3A_200 = arith.constant 8192 : i32
          %jit3A_201 = arith.constant 0 : i32
          %broadcast_in_dim3A_202 = vector.broadcast %jit3A_200 : i32 to vector<64x4096xi32>
          %broadcast_in_dim3A_203 = vector.broadcast %jit3A_201 : i32 to vector<64x4096xi32>
          %select_n3A_204 = arith.select %and3A_199, %broadcast_in_dim3A_202, %broadcast_in_dim3A_203 : vector<64x4096xi1>, vector<64x4096xi32>
          %add3A_205 = arith.addi %select_n3A_196, %select_n3A_204 : vector<64x4096xi32>
          %reduce_sum3A_206 = arith.constant dense<0> : vector<64xi32>
          %reduce_sum3A_207 = vector.multi_reduction <add>, %add3A_205, %reduce_sum3A_206 [1] : vector<64x4096xi32> to vector<64xi32>
          %broadcast_in_dim3A_208 = vector.shape_cast %reduce_sum3A_207 : vector<64xi32> to vector<64x1xi32>
          %and3A_209 = arith.constant 8191 : i32
          %and3A_210 = vector.broadcast %and3A_209 : i32 to vector<64x1xi32>
          %and3A_211 = arith.andi %broadcast_in_dim3A_208, %and3A_210 : vector<64x1xi32>
          %shift_right_logical3A = arith.constant 13 : i32
          %shift_right_logical3A_212 = vector.broadcast %shift_right_logical3A : i32 to vector<64x1xi32>
          %shift_right_logical3A_213 = arith.shrui %broadcast_in_dim3A_208, %shift_right_logical3A_212 : vector<64x1xi32>
          %le3A = arith.cmpi sle, %and3A_211, %sub3A_159 : vector<64x1xi32>
          %select_n3A_214 = arith.select %le3A, %add3A_187, %scan3A_183 : vector<64x1xi1>, vector<64x1xi32>
          %le3A_215 = arith.cmpi sle, %shift_right_logical3A_213, %sub3A_167 : vector<64x1xi32>
          %select_n3A_216 = arith.select %le3A_215, %add3A_189, %scan3A_184 : vector<64x1xi1>, vector<64x1xi32>
          %shift_right_logical3A_217 = arith.constant 1 : i32
          %shift_right_logical3A_218 = arith.shrui %scan3A_185, %shift_right_logical3A_217 : i32
          scf.yield %select_n3A_214, %select_n3A_216, %shift_right_logical3A_218 : vector<64x1xi32>, vector<64x1xi32>, i32
        }
        scf.yield %scan3A_181#0, %scan3A_181#1 : vector<64x1xi32>, vector<64x1xi32>
      }
      %iota3A_116 = tpu.iota {dimensions = array<i32: 1>} : vector<1x64xi32>
      %mul3A = arith.constant 4096 : i32
      %mul3A_117 = vector.broadcast %mul3A : i32 to vector<1x64xi32>
      %mul3A_118 = arith.muli %iota3A_116, %mul3A_117 : vector<1x64xi32>
      %reshape3A = vector.shape_cast %cond3A_60 : vector<64x1xi32> to vector<1x64xi32>
      %add3A = arith.addi %reshape3A, %mul3A_118 : vector<1x64xi32>
      %reshape3A_119 = vector.shape_cast %cond3A_115#0 : vector<64x1xi32> to vector<1x64xi32>
      %add3A_120 = arith.addi %reshape3A_119, %mul3A_118 : vector<1x64xi32>
      %reshape3A_121 = vector.shape_cast %cond3A_115#1 : vector<64x1xi32> to vector<1x64xi32>
      %add3A_122 = arith.addi %reshape3A_121, %mul3A_118 : vector<1x64xi32>
      %concatenate3A = tpu.concatenate %add3A, %add3A_120, %add3A_122 in 1 : vector<1x64xi32>, vector<1x64xi32>, vector<1x64xi32> -> vector<1x192xi32>
      %swap3A_123 = arith.constant 0 : index
      %swap3A_124 = arith.constant 0 : index
      %swap3A_125 = vector.load %arg2[%swap3A_123, %swap3A_124] : memref<1x192xi32, #tpu.memory_space<vmem>>, vector<1x192xi32>
      tpu.vector_store %arg2[%swap3A_123, %swap3A_124], %concatenate3A {strides = array<i32>} : memref<1x192xi32, #tpu.memory_space<vmem>>, vector<1x192xi32>,
    } else {
    }
    return
  }
  func.func @transform_0(%arg0: i32) -> (i32, i32, i32) {
    %c0_i32 = arith.constant 0 : i32
    %c0_i32_0 = arith.constant 0 : i32
    %c0_i32_1 = arith.constant 0 : i32
    return %arg0, %c0_i32, %c0_i32_0 : i32, i32, i32
  }
  func.func @transform_1(%arg0: i32) -> (i32, i32) {
    %c0_i32 = arith.constant 0 : i32
    %c0_i32_0 = arith.constant 0 : i32
    %c0_i32_1 = arith.constant 0 : i32
    return %c0_i32, %c0_i32_0 : i32, i32
  }
}

module attributes {stable_mosaic.version = 14 : i64} {
  func.func @_assemble_body(%arg0: memref<64x256xf32, #tpu.memory_space<vmem>>, %arg1: memref<64x256xf32, #tpu.memory_space<vmem>>, %arg2: memref<64x256xf32, #tpu.memory_space<vmem>>, %arg3: memref<64x256xf32, #tpu.memory_space<vmem>>, %arg4: memref<64x2x256xf32, #tpu.memory_space<vmem>>) attributes {dimension_semantics = [], scalar_prefetch = 0 : i64, scratch_operands = 0 : i64, tpu.core_type = #tpu.core_type<tc>} {
    %get3A = arith.constant 0 : index
    %get3A_0 = arith.constant 0 : index
    %get3A_1 = vector.load %arg0[%get3A, %get3A_0] : memref<64x256xf32, #tpu.memory_space<vmem>>, vector<64x256xf32>
    %get3A_2 = arith.constant 0 : index
    %get3A_3 = arith.constant 0 : index
    %get3A_4 = vector.load %arg1[%get3A_2, %get3A_3] : memref<64x256xf32, #tpu.memory_space<vmem>>, vector<64x256xf32>
    %get3A_5 = arith.constant 0 : index
    %get3A_6 = arith.constant 0 : index
    %get3A_7 = vector.load %arg2[%get3A_5, %get3A_6] : memref<64x256xf32, #tpu.memory_space<vmem>>, vector<64x256xf32>
    %get3A_8 = arith.constant 0 : index
    %get3A_9 = arith.constant 0 : index
    %get3A_10 = vector.load %arg3[%get3A_8, %get3A_9] : memref<64x256xf32, #tpu.memory_space<vmem>>, vector<64x256xf32>
    %sub3A = arith.subf %get3A_1, %get3A_10 : vector<64x256xf32>
    %mul3A = arith.mulf %sub3A, %sub3A : vector<64x256xf32>
    %reduce_sum3A = arith.constant dense<0.000000e+00> : vector<64xf32>
    %reduce_sum3A_11 = vector.multi_reduction <add>, %mul3A, %reduce_sum3A [1] : vector<64x256xf32> to vector<64xf32>
    %broadcast_in_dim3A = vector.shape_cast %reduce_sum3A_11 : vector<64xf32> to vector<64x1xf32>
    %sqrt3A = math.sqrt %broadcast_in_dim3A : vector<64x1xf32>
    %sub3A_12 = arith.subf %get3A_4, %get3A_10 : vector<64x256xf32>
    %mul3A_13 = arith.mulf %sub3A_12, %sub3A_12 : vector<64x256xf32>
    %reduce_sum3A_14 = arith.constant dense<0.000000e+00> : vector<64xf32>
    %reduce_sum3A_15 = vector.multi_reduction <add>, %mul3A_13, %reduce_sum3A_14 [1] : vector<64x256xf32> to vector<64xf32>
    %broadcast_in_dim3A_16 = vector.shape_cast %reduce_sum3A_15 : vector<64xf32> to vector<64x1xf32>
    %sqrt3A_17 = math.sqrt %broadcast_in_dim3A_16 : vector<64x1xf32>
    %sub3A_18 = arith.subf %get3A_7, %get3A_10 : vector<64x256xf32>
    %mul3A_19 = arith.mulf %sub3A_18, %sub3A_18 : vector<64x256xf32>
    %reduce_sum3A_20 = arith.constant dense<0.000000e+00> : vector<64xf32>
    %reduce_sum3A_21 = vector.multi_reduction <add>, %mul3A_19, %reduce_sum3A_20 [1] : vector<64x256xf32> to vector<64xf32>
    %broadcast_in_dim3A_22 = vector.shape_cast %reduce_sum3A_21 : vector<64xf32> to vector<64x1xf32>
    %sqrt3A_23 = math.sqrt %broadcast_in_dim3A_22 : vector<64x1xf32>
    %slice3A = vector.extract_strided_slice %get3A_10 {offsets = [0, 0], sizes = [64, 1], strides = [1, 1]} : vector<64x256xf32> to vector<64x1xf32>
    %slice3A_24 = vector.extract_strided_slice %get3A_1 {offsets = [0, 0], sizes = [64, 1], strides = [1, 1]} : vector<64x256xf32> to vector<64x1xf32>
    %lt3A = arith.cmpf olt, %slice3A, %slice3A_24 : vector<64x1xf32>
    %select_n3A = arith.select %lt3A, %sqrt3A_17, %sqrt3A_23 : vector<64x1xi1>, vector<64x1xf32>
    %select_n3A_25 = arith.select %lt3A, %sqrt3A_23, %sqrt3A_17 : vector<64x1xi1>, vector<64x1xf32>
    %broadcast_in_dim3A_26 = vector.shape_cast %lt3A : vector<64x1xi1> to vector<64x1xi1>
    %broadcast_in_dim3A_27 = vector.broadcast %broadcast_in_dim3A_26 : vector<64x1xi1> to vector<64x256xi1>
    %select_n3A_28 = arith.select %broadcast_in_dim3A_27, %get3A_4, %get3A_7 : vector<64x256xi1>, vector<64x256xf32>
    %broadcast_in_dim3A_29 = vector.shape_cast %lt3A : vector<64x1xi1> to vector<64x1xi1>
    %broadcast_in_dim3A_30 = vector.broadcast %broadcast_in_dim3A_29 : vector<64x1xi1> to vector<64x256xi1>
    %select_n3A_31 = arith.select %broadcast_in_dim3A_30, %get3A_7, %get3A_4 : vector<64x256xi1>, vector<64x256xf32>
    %lt3A_32 = arith.cmpf olt, %sqrt3A, %select_n3A : vector<64x1xf32>
    %convert_element_type3A = arith.extui %lt3A_32 : vector<64x1xi1> to vector<64x1xi32>
    %lt3A_33 = arith.cmpf olt, %select_n3A_25, %select_n3A : vector<64x1xf32>
    %convert_element_type3A_34 = arith.extui %lt3A_33 : vector<64x1xi1> to vector<64x1xi32>
    %add3A = arith.addi %convert_element_type3A, %convert_element_type3A_34 : vector<64x1xi32>
    %le3A = arith.cmpf ole, %select_n3A, %sqrt3A : vector<64x1xf32>
    %convert_element_type3A_35 = arith.extui %le3A : vector<64x1xi1> to vector<64x1xi32>
    %lt3A_36 = arith.cmpf olt, %select_n3A_25, %sqrt3A : vector<64x1xf32>
    %convert_element_type3A_37 = arith.extui %lt3A_36 : vector<64x1xi1> to vector<64x1xi32>
    %add3A_38 = arith.addi %convert_element_type3A_35, %convert_element_type3A_37 : vector<64x1xi32>
    %eq3A = arith.constant 0 : i32
    %eq3A_39 = vector.broadcast %eq3A : i32 to vector<64x1xi32>
    %eq3A_40 = arith.cmpi eq, %add3A, %eq3A_39 : vector<64x1xi32>
    %eq3A_41 = arith.constant 0 : i32
    %eq3A_42 = vector.broadcast %eq3A_41 : i32 to vector<64x1xi32>
    %eq3A_43 = arith.cmpi eq, %add3A_38, %eq3A_42 : vector<64x1xi32>
    %broadcast_in_dim3A_44 = vector.shape_cast %eq3A_43 : vector<64x1xi1> to vector<64x1xi1>
    %broadcast_in_dim3A_45 = vector.broadcast %broadcast_in_dim3A_44 : vector<64x1xi1> to vector<64x256xi1>
    %select_n3A_46 = arith.select %broadcast_in_dim3A_45, %get3A_1, %select_n3A_31 : vector<64x256xi1>, vector<64x256xf32>
    %broadcast_in_dim3A_47 = vector.shape_cast %eq3A_40 : vector<64x1xi1> to vector<64x1xi1>
    %broadcast_in_dim3A_48 = vector.broadcast %broadcast_in_dim3A_47 : vector<64x1xi1> to vector<64x256xi1>
    %select_n3A_49 = arith.select %broadcast_in_dim3A_48, %select_n3A_28, %select_n3A_46 : vector<64x256xi1>, vector<64x256xf32>
    %eq3A_50 = arith.constant 1 : i32
    %eq3A_51 = vector.broadcast %eq3A_50 : i32 to vector<64x1xi32>
    %eq3A_52 = arith.cmpi eq, %add3A, %eq3A_51 : vector<64x1xi32>
    %eq3A_53 = arith.constant 1 : i32
    %eq3A_54 = vector.broadcast %eq3A_53 : i32 to vector<64x1xi32>
    %eq3A_55 = arith.cmpi eq, %add3A_38, %eq3A_54 : vector<64x1xi32>
    %broadcast_in_dim3A_56 = vector.shape_cast %eq3A_55 : vector<64x1xi1> to vector<64x1xi1>
    %broadcast_in_dim3A_57 = vector.broadcast %broadcast_in_dim3A_56 : vector<64x1xi1> to vector<64x256xi1>
    %select_n3A_58 = arith.select %broadcast_in_dim3A_57, %get3A_1, %select_n3A_31 : vector<64x256xi1>, vector<64x256xf32>
    %broadcast_in_dim3A_59 = vector.shape_cast %eq3A_52 : vector<64x1xi1> to vector<64x1xi1>
    %broadcast_in_dim3A_60 = vector.broadcast %broadcast_in_dim3A_59 : vector<64x1xi1> to vector<64x256xi1>
    %select_n3A_61 = arith.select %broadcast_in_dim3A_60, %select_n3A_28, %select_n3A_58 : vector<64x256xi1>, vector<64x256xf32>
    %reshape3A = vector.shape_cast %select_n3A_49 : vector<64x256xf32> to vector<64x1x256xf32>
    %swap3A = arith.constant 0 : index
    %swap3A_62 = arith.constant 0 : index
    %swap3A_63 = arith.constant 0 : index
    %swap3A_64 = vector.load %arg4[%swap3A, %swap3A_62, %swap3A_63] : memref<64x2x256xf32, #tpu.memory_space<vmem>>, vector<64x1x256xf32>
    tpu.vector_store %arg4[%swap3A, %swap3A_62, %swap3A_63], %reshape3A {strides = array<i32>} : memref<64x2x256xf32, #tpu.memory_space<vmem>>, vector<64x1x256xf32>,
    %reshape3A_65 = vector.shape_cast %select_n3A_61 : vector<64x256xf32> to vector<64x1x256xf32>
    %swap3A_66 = arith.constant 0 : index
    %swap3A_67 = arith.constant 1 : index
    %swap3A_68 = arith.constant 0 : index
    %swap3A_69 = vector.load %arg4[%swap3A_66, %swap3A_67, %swap3A_68] : memref<64x2x256xf32, #tpu.memory_space<vmem>>, vector<64x1x256xf32>
    tpu.vector_store %arg4[%swap3A_66, %swap3A_67, %swap3A_68], %reshape3A_65 {strides = array<i32>} : memref<64x2x256xf32, #tpu.memory_space<vmem>>, vector<64x1x256xf32>,
    return
  }
}

</mosaic_0001>

<sc_bundles>
// kernel: kernel.5.cloned.1.call-start
scs
__scs_entry_jumppad:
0x0: {  	(pc) =	sbr.rel $0x88, $3  }
0x1: {  	(tag) =	ssettag $0x0;
	lr =	simm.s32 $0x1  }
0x2: {  	[smem:$0x3F9F] =	sst lr;
	_ =	strace $0xD0000000  }
0x3: {  	_ = 	snop  }
0x4: {  	_ = 	snop  }
0x5: {  	_ = 	snop  }
0x6: {  	_ = 	snop  }
0x7: {  	_ = 	snop  }
__scs_overlays_trampoline_lowered:
0x8: {  	[smem:$0x3FAE] =	sst s0  }
0x9: {  	[smem:$0x3FAF] =	sst s1  }
0xa: {  	[smem:$0x3FB0] =	sst s2  }
0xb: {  	[smem:$0x3FB1] =	sst s3  }
0xc: {  	[smem:$0x3FB2] =	sst s4  }
0xd: {  	[smem:$0x3FB3] =	sst s5  }
0xe: {  	[smem:$0x3FB4] =	sst s6  }
0xf: {  	[smem:$0x3FB5] =	sst s7  }
0x10: {  	[smem:$0x3FB6] =	sst s8  }
0x11: {  	[smem:$0x3FB7] =	sst s9;
	s0 =	simm.s32 @!p0 $0x0  }
0x12: {  	s1 =	sld [smem:$0x3F9D];
	s0 =	simm.s32 @p0 $0x1  }
0x13: {  	[smem:$0x3FB8] =	sst s0;
	s0 =	simm.s32 @!p1 $0x0  }
0x14: {  	s2 =	sld [smem:$0x3F9C];
	s0 =	simm.s32 @p1 $0x1  }
0x15: {  	[smem:$0x3FB9] =	sst s0;
	s0 =	simm.s32 @!p2 $0x0  }
0x16: {  	s3 =	sld [smem:$0x3FDB];
	s0 =	simm.s32 @p2 $0x1  }
0x17: {  	s4 =	simm.s32 $0x1BF5;
	[smem:$0x3FBB] =	sst s0  }
0x18: {  	s0 =	sld [smem:$0x3F9E];
	_ =	swait.ge [sflag:s4], $0x0  }
0x19: {  	s7 =	sld [smem:$0x3F9F]  }
0x1a: {  	s8 =	sadd.s32 $0xFFFFE003, lr  }
0x1b: {  	s9 =	sadd.s32 $0xFFFFFEF7, lr;
	s5 =	simm.s32 $0xFFFFFFFF;
	p2 =	slt.u32 s8, $0xFFFFF086  }
0x1c: {  	p1 =	slt.u32 s9, $0xF7A;
	s5 =	simm.s32 @!p2 $0x0  }
0x1d: {  	s5 =	simm.s32 @p1 $0x1;
	p0 =	seq.s32 s7, s2  }
0x1e: {  	s7 =	smul.u32 @!p0 $0xF7A, s2;
	p2 =	seq.s32 @!p0 s5, $0x0  }
0x1f: {  	s9 =	smul.u32 $0xF7A, s1;
	s8 =	simm.s32 @!p0 $0x1BF5;
	p2 =	por !p2, p0  }
0x20: {  	[sflag:s8] =	ssyncset.s32 @!p0 $0xFFFFF086;
	s6 =	sadd.s32 @!p0 s3, s7;
	s7 =	simm.s32 @!p0 $0x108  }
0x21: {  	s3 =	sadd.s32 s3, s9;
	s6 =	sadd.s32 @!p0 $0x88, s6;
	s7 =	simm.s32 @p2 $0x1082  }
0x22: {  	[simem:s7], [sflag:s8] =	dma.local @!p0 [hbm:s6], $0xF7A  }
0x23: {  	s9 =	sor.u32 $0xD0000000, s2;
	s6 =	simm.s32 $0x108;
	_ =	swait.ge @!p0 [sflag:s8], $0x0  }
0x24: {  	s3 =	sadd.s32 $0x88, s3;
	s6 =	simm.s32 @!p1 $0x1082;
	[sflag:s4] =	ssyncset.s32 $0xFFFFF086  }
0x25: {  	[simem:s6], [sflag:s4] =	dma.local [hbm:s3], $0xF7A  }
0x26: {  	[smem:$0x3F9F] =	sst s1;
	(tag) =	ssettag s2;
	_ =	strace s9  }
0x27: {  	s1 =	sld [smem:$0x3FAF]  }
0x28: {  	s2 =	sld [smem:$0x3FB0]  }
0x29: {  	s4 =	sld [smem:$0x3FB2]  }
0x2a: {  	p0 =	seq.s32 s5, $0x0;
	s5 =	sld [smem:$0x3FB3]  }
0x2b: {  	s6 =	sld [smem:$0x3FB4]  }
0x2c: {  	s7 =	sld [smem:$0x3FB5]  }
0x2d: {  	s3 =	simm.s32 $0x108;
	s8 =	sld [smem:$0x3FB6]  }
0x2e: {  	s3 =	simm.s32 @!p0 $0x1082;
	s9 =	sld [smem:$0x3FB7]  }
0x2f: {  	lr =	sadd.s32 s0, s3;
	s0 =	sld [smem:$0x3FAE]  }
0x30: {  	s3 =	sld [smem:$0x3FB1]  }
0x31: {  	[smem:$0x3FBA] =	sst s10  }
0x32: {  	s10 =	sld [smem:$0x3FB8];
	_ =	sdelay $0x3  }
0x33: {  	p0 =	seq.s32 s10, $0x1;
	s10 =	sld [smem:$0x3FBA];
	_ =	sdelay $0x3  }
0x34: {  	[smem:$0x3FBA] =	sst s10  }
0x35: {  	s10 =	sld [smem:$0x3FB9];
	_ =	sdelay $0x3  }
0x36: {  	p1 =	seq.s32 s10, $0x1;
	s10 =	sld [smem:$0x3FBA];
	_ =	sdelay $0x3  }
0x37: {  	[smem:$0x3FBA] =	sst s10  }
0x38: {  	s10 =	sld [smem:$0x3FBB]  }
0x39: {  	_ = 	snop;
	(pc) =	sbr.ind lr, $3  }
0x3a: {  	_ = 	snop  }
0x3b: {  	_ = 	snop  }
0x3c: {  	p2 =	seq.s32 s10, $0x1;
	s10 =	sld [smem:$0x3FBA]  }
0x3d: {  	_ =	shalt  }
0x3e: {  	_ =	shalt  }
0x3f: {  	_ =	shalt  }
0x40: {  	_ =	shalt  }
0x41: {  	_ =	shalt  }
0x42: {  	_ =	shalt  }
0x43: {  	_ =	shalt  }
0x44: {  	_ =	shalt  }
0x45: {  	_ =	shalt  }
0x46: {  	_ =	shalt  }
0x47: {  	_ =	shalt  }
0x48: {  	_ =	shalt  }
0x49: {  	_ =	shalt  }
0x4a: {  	_ =	shalt  }
0x4b: {  	_ =	shalt  }
0x4c: {  	_ =	shalt  }
0x4d: {  	_ =	shalt  }
0x4e: {  	_ =	shalt  }
0x4f: {  	_ =	shalt  }
0x50: {  	_ =	shalt  }
0x51: {  	_ =	shalt  }
0x52: {  	_ =	shalt  }
0x53: {  	_ =	shalt  }
0x54: {  	_ =	shalt  }
0x55: {  	_ =	shalt  }
0x56: {  	_ =	shalt  }
0x57: {  	_ =	shalt  }
0x58: {  	_ =	shalt  }
0x59: {  	_ =	shalt  }
0x5a: {  	_ =	shalt  }
0x5b: {  	_ =	shalt  }
0x5c: {  	_ =	shalt  }
0x5d: {  	_ =	shalt  }
0x5e: {  	_ =	shalt  }
0x5f: {  	_ =	shalt  }
0x60: {  	_ =	shalt  }
0x61: {  	_ =	shalt  }
0x62: {  	_ =	shalt  }
0x63: {  	_ =	shalt  }
0x64: {  	_ =	shalt  }
0x65: {  	_ =	shalt  }
0x66: {  	_ =	shalt  }
0x67: {  	_ =	shalt  }
0x68: {  	_ =	shalt  }
0x69: {  	_ =	shalt  }
0x6a: {  	_ =	shalt  }
0x6b: {  	_ =	shalt  }
0x6c: {  	_ =	shalt  }
0x6d: {  	_ =	shalt  }
0x6e: {  	_ =	shalt  }
0x6f: {  	_ =	shalt  }
0x70: {  	_ =	shalt  }
0x71: {  	_ =	shalt  }
0x72: {  	_ =	shalt  }
0x73: {  	_ =	shalt  }
0x74: {  	_ =	shalt  }
0x75: {  	_ =	shalt  }
0x76: {  	_ =	shalt  }
0x77: {  	_ =	shalt  }
0x78: {  	_ =	shalt  }
0x79: {  	_ =	shalt  }
0x7a: {  	_ =	shalt  }
0x7b: {  	_ =	shalt  }
0x7c: {  	_ =	shalt  }
0x7d: {  	_ =	shalt  }
0x7e: {  	_ =	shalt  }
0x7f: {  	_ =	shalt  }
0x80: {  	_ =	shalt  }
0x81: {  	_ =	shalt  }
0x82: {  	_ =	shalt  }
0x83: {  	_ =	shalt  }
0x84: {  	_ =	shalt  }
0x85: {  	_ =	shalt  }
0x86: {  	_ =	shalt  }
0x87: {  	_ =	shalt  }
.Lfunc_end0:
.L_simem_size_0:
called_computation_lowered:
.L_overlay_start_0:
0x88: {  	s2 =	sld [smem:$0x3FD9]  }
0x89: {  	s3 =	sld [smem:$0x3FFE];
	_ =	sdelay $0x1  }
0x8a: {  	s1 =	srdreg.scid  }
0x8b: {  	s0 =	sand.u32 $0x1, s1  }
0x8c: {  	s17 =	sshll.u32 s0, $0xA;
	s2 =	sadd.s32 s3, s2  }
0x8d: {  	s2 =	sadd.s32 s2, s17  }
0x8e: {  	[smem:$0x3FC6] =	sst s2  }
0x8f: {  	_ = 	snop  }
0x90: {  	s2 =	sld [smem:$0x3FC9]  }
0x91: {  	s18 =	sld [smem:$0x3FD0];
	(tm) =	ssettm $0x1  }
0x92: {  	s4 =	sld [smem:$0x3FFB];
	_ =	sdelay $0x3  }
0x93: {  	_ =	strace s4  }
0x94: {  	s4 =	sld [smem:$0x3FFC];
	_ =	sdelay $0x3  }
0x95: {  	_ =	strace s4  }
0x96: {  	s4 =	sld [smem:$0x3FFD];
	_ =	sdelay $0x3  }
0x97: {  	_ =	strace s4  }
0x98: {  	_ =	strace $0x8FFFFFFF  }
0x99: {  	s19 =	sld [smem:$0x3FDB];
	_ =	sdelay $0x1  }
0x9a: {  	s5 =	simm.s32 $_scs_section_size  }
0x9b: {  	s6 =	simm.s32 $_size__tile_overlayer_lowered;
	s7 =	simm.s32 $_tile_overlayer_lowered  }
0x9c: {  	s22 =	simm.s32 $0x1BFF;
	s21 =	sshll.u32 s7, $0x1;
	s4 =	sadd.s32 s5, s19  }
0x9d: {  	s8 =	simm.s32 $0x0;
	s20 =	sshll.u32 s6, $0x1;
	s6 =	sadd.s32 s21, s4  }
0x9e: {  	[timem:s8], [sflag:s22] =	dma.local [hbm:s6], s20  }
0x9f: {  	_ =	swait.ge [sflag:s22], s20  }
0xa0: {  	s5 =	ssub.s32 $0x0, s20;
	[sflag:s22] =	ssyncset.done $0x0  }
0xa1: {  	[sflag:s22] =	ssyncadd.s32 s5;
	_ =	sdelay $0x1  }
0xa2: {  	s23 =	simm.s32 $0x1B8B  }
0xa3: {  	_ =	swait.ge [sflag:s23], $0x1  }
0xa4: {  	[sflag:s23] =	ssyncset.done $0x0  }
0xa5: {  	s25 =	simm.s32 $0x1B8E;
	s24 =	sld [smem:$0x3FFE];
	[sflag:s23] =	ssyncadd.s32 $0xFFFFFFFF  }
0xa6: {  	s26 =	simm.s32 $execute0_lowered;
	[smem:$0x3FD2] =	sst s25  }
0xa7: {  	s6 =	sshll.u32 s26, $0x1;
	_ =	strace $0x80000046;
	[dreg:$0x1] =	wrdreg $0xFFFFFFFF  }
0xa8: {  	s28 =	simm.s32 $_size_execute0_lowered;
	s4 =	sadd.s32 s4, s6;
	[dreg:$0x0] =	wrdreg $0x0  }
0xa9: {  	s6 =	sshll.u32 s28, $0x1;
	[dreg:$0x2] =	wrdreg s4  }
0xaa: {  	[dreg:$0x3] =	wrdreg s6  }
0xab: {  	[dreg:$0x4] =	wrdreg $0xC0  }
0xac: {  	_ =	task [dreg:s8], $0x5FFFF  }
0xad: {  	[dreg:$0x1] =	wrdreg $0xFFFFFFFF  }
0xae: {  	[dreg:$0x0] =	wrdreg $0x60  }
0xaf: {  	[dreg:$0x2] =	wrdreg s2  }
0xb0: {  	[dreg:$0x3] =	wrdreg s24  }
0xb1: {  	[dreg:$0x4] =	wrdreg s18  }
0xb2: {  	[dreg:$0x5] =	wrdreg $0x9  }
0xb3: {  	_ =	task.clear_ibuf [dreg:s8], $0x6FFFF;
	_ =	strace $0x90000046  }
0xb4: {  	s29 =	simm.s32 $0x9;
	_ =	strace $0x80000048  }
0xb5: {  	_ =	swait.ge [sflag:s29], $0x1  }
0xb6: {  	[sflag:s29] =	ssyncadd.s32 $0xFFFFFFFF  }
0xb7: {  	_ =	strace $0x90000048  }
0xb8: {  	_ =	sfence  }
0xb9: {  	s30 =	sld [smem:$0x0];
	_ =	sdelay $0x2  }
0xba: {  	s31 =	sshll.u32 s1, $0xD;
	s1 =	sshrl.u32 s1, $0x2  }
0xbb: {  	s3 =	sand.u32 $0x4000, s31;
	s1 =	sadd.s32 s1, s30  }
0xbc: {  	s0 =	sor.u32 s3, s0;
	s1 =	sshll.u32 s1, $0x11  }
0xbd: {  	s0 =	sor.u32 s1, s0  }
0xbe: {  	s0 =	sadd.s32 $0x8F2B, s0  }
0xbf: {  	[sflag:s0] =	ssyncadd.remote.s32 $0x1  }
0xc0: {  	_ =	sfence.sel $0xFFFF  }
0xc1: {  	[dreg:$0x0] =	wrdreg $0xFFFFFFFF;
	(pc) =	sbr.abs _section_cstart, $3  }
0xc2: {  	[dreg:$0x1] =	wrdreg $0xFFFFFFFF  }
0xc3: {  	_ =	task.clear_ibuf [dreg:s8], $0x2FFFF;
	_ =	strace $0x9FFFFFFF  }
0xc4: {  	(tm) =	ssettm $0x7FFFFFFF  }
0xc5: {  	_ =	shalt  }
tec
execute0_lowered:
.L_overlay_start_1:
0x0: {  	(tag) =	ssettag $0x1  }
0x1: {  	s2 =	stileid.u32  }
0x2: {  	p0 =	sgt.u32 s2, $0xB  }
.Ltmp0:
0x3: {  	s1 =	rddreg [dreg:$0x0];
	(pc) =	sbr.rel @p0 .LBB2_3-.Ltmp0, $4  }
0x4: {  	s4 =	rddreg [dreg:$0x1]  }
0x5: {  	s5 =	rddreg [dreg:$0x2];
	s3 =	simm.s32 $0x0  }
0x6: {  	[smem:$0x7FF] =	sst s3  }
0x7: {  	s0 =	rddreg [dreg:$0x3];
	_ =	strace $0x80000047  }
0x8: {  	s6 =	srdreg.scid  }
0x9: {  	s7 =	sshll.u32 s2, $0x1;
	s6 =	sand.u32 $0x1, s6  }
0xa: {  	s7 =	sor.u32 s6, s7  }
0xb: {  	s10 =	sadd.s32 $0x1200, s4;
	s8 =	sshll.u32 s7, $0xB  }
0xc: {  	s6 =	ssub.s32 $0x2, s6;
	s9 =	sadd.s32 $0xFFFFC000, s8;
	s8 =	sadd.s32 $0xFFFF8000, s8  }
0xd: {  	s11 =	sshll.u32 s7, $0x8;
	s31 =	sshrl.u32 s6, $0x1;
	s8 =	sshrl.u32 s8, $0x3  }
0xe: {  	s11 =	sadd.s32 s5, s11;
	s30 =	sadd.s32 s8, s4;
	s8 =	sshrl.u32 s2, $0x2  }
0xf: {  	s6 =	ssub.s32 s6, s31;
	s9 =	sshrl.u32 s9, $0x3;
	p0 =	seq.s32 s8, $0x0  }
0x10: {  	s5 =	sadd.s32 s10, s7;
	s9 =	sadd.s32 s9, s4;
	p1 =	seq.s32 @!p0 s8, $0x2  }
0x11: {  	v0 =	vlaneseq.u32;
	s4 =	sadd.s32 $0x1C00, s30;
	s9 =	sadd.s32 $0x1400, s9;
	p1 =	por !p1, p0  }
0x12: {  	v1 =	vshrl.u32 v0, $0x3;
	s7 =	simm.s32 $0x2;
	s6 =	smax.u32 s6, $0x1;
	s4 =	smov.u32 @p1 s9  }
0x13: {  	vm0 =	vmmov $0xffff;
	v0 =	vand.u32 $0x7, v0;
	v1 =	vmul.u32 $0x8, v1;
	s8 =	simm.s32 $0x80;
	s9 =	simm.s32 $0x1;
	s4 =	smov.u32 @p0 s11  }
.LBB2_2:
0x14: {  	[tilespmem:s3], [sflag:$0x2] =	stream.linear.gather [hbm4b:s5+s3], $0x8, $0x38;
	[tilespmem:$0x880] =	vst v63  }
0x15: {  	_ =	swait.ge [sflag:s7], $0x8  }
0x16: {  	[sflag:s7] =	ssyncset.done $0x0  }
0x17: {  	[sflag:s7] =	ssyncadd.s32 $0xFFFFFFF8  }
0x18: {  	v2 =	vld.msk [tilespmem:$0x0], $0xff;
	_ =	sdelay $0x4  }
0x19: {  	v3 =	vshll.u32 v2, $0x1  }
0x1a: {  	v2 =	vand.u32 $0x7, v2;
	v3 =	vand.u32 $0xFFFFFFF0, v3  }
0x1b: {  	v2 =	vor.u32 v2, v3  }
0x1c: {  	v2 =	vperm.xlane v2, v0;
	_ =	sdelay $0x1  }
0x1d: {  	v2 =	vadd.s32 v1, v2;
	_ =	sdelay $0x4  }
0x1e: {  	[tilespmem:s8], [sflag:$0x1] =	stream.indirect_vreg.gather [hbm4b:s1+s3], $0x80, v2, vm0, $0xb8;
	[tilespmem:$0x880] =	vst v63  }
0x1f: {  	s6 =	sadd.s32 $0xFFFFFFFF, s6;
	_ =	swait.ge [sflag:s9], $0x800  }
0x20: {  	p0 =	sne.s32 s6, $0x0;
	[sflag:s9] =	ssyncset.done $0x0  }
.Ltmp1:
0x21: {  	[sflag:s9] =	ssyncadd.s32 $0xFFFFF800;
	(pc) =	sbr.rel @p0 .LBB2_2-.Ltmp1, $4  }
0x22: {  	[hbm4b:s4+s3] =	stream.linear.scatter [tilespmem:s8], [sflag:$0x2], $0x800, $0x38;
	[tilespmem:$0x880] =	vst v63  }
0x23: {  	_ =	swait.ge [sflag:s7], $0x800  }
0x24: {  	[sflag:s7] =	ssyncset.done $0x0  }
0x25: {  	[sflag:s7] =	ssyncadd.s32 $0xFFFFF800  }
.LBB2_3:
0x26: {  	_ =	sfence.sel $0x180000  }
0x27: {  	[bflag:$0x0] =	sbarrier.arrive $0xFFFF  }
0x28: {  	p0 =	sne.s32 s2, $0x0;
	_ =	strace $0x90000047  }
0x29: {  	s0 =	sadd.s32 @!p0 $0x100000, s0;
	[bflag:$0x2] =	sbarrier.arrive $0xFFFF  }
0x2a: {  	[sflag:s0] =	ssyncadd.tile.s32 @!p0 $0x1;
	_ =	shalt  }
.Lfunc_end2:
_tile_overlayer_lowered:
.L_overlay_start_2:
0x2b: {  	(tag) =	ssettag $0x2  }
0x2c: {  	s0 =	rddreg [dreg:$0x0];
	s2 =	stileid.u32  }
0x2d: {  	s1 =	rddreg [dreg:$0x1];
	p0 =	sne.s32 s2, $0x0  }
0x2e: {  	s3 =	rddreg [dreg:$0x2];
	[bflag:$0x3] =	sbarrier.arrive $0xFFFF;
	s2 =	simm.s32 @!p0 $0x1C02  }
0x2f: {  	[timem:s3], [sflag:s2] =	dma.local @!p0 [hbm:s0], s1  }
0x30: {  	s0 =	simm.s32 @!p0 $0x2  }
0x31: {  	_ =	swait.ge @!p0 [sflag:s0], s1  }
0x32: {  	s1 =	ssub.s32 @!p0 $0x0, s1;
	[sflag:s0] =	ssyncset.done @!p0 $0x0  }
0x33: {  	[sflag:s0] =	ssyncadd.s32 @!p0 s1  }
0x34: {  	[bflag:$0x3] =	sbarrier.arrive $0xFFFF  }
0x35: {  	_ =	shalt  }

</sc_bundles>
